<compile_context>
chip_gen: v7x
topology: tpu7x:2x2x1
jax: 0.10.2.dev20260603
libtpu: 0.0.44.dev20260713+nightly
codegen_flags: <defaults>
</compile_context>

<pallas_src>
import jax
import jax.numpy as jnp
from jax.experimental import pallas as pl

_TEMP = 0.07
_NCLS = 1000
_NTRAIN = 100000
_TB = 2048
_NB = 49
_NPAD = _NB * _TB
_VR = _TB // 128
_NG = _NB * 128
_B2 = 7
_NG2 = (_NB // _B2) * 128
_NQ = 1024
_TOPG = 104
_MAXK = 101


def _sim_kernel(ft_ref, tbt_ref, sims_ref, gmax_ref, g2max_ref):
    i = pl.program_id(0)
    s = jnp.dot(ft_ref[...], tbt_ref[...], preferred_element_type=jnp.float32)
    col = i * _TB + jax.lax.broadcasted_iota(jnp.int32, (_NQ, _TB), 1)
    s = jnp.where(col < _NTRAIN, s, -1e30)
    sims_ref[...] = s
    g = jnp.max(s.reshape(_NQ, _VR, 128), axis=1)
    gmax_ref[...] = g

    @pl.when(i % _B2 == 0)
    def _init():
        g2max_ref[...] = g

    @pl.when(i % _B2 != 0)
    def _acc():
        g2max_ref[...] = jnp.maximum(g2max_ref[...], g)


def _vote_kernel(v_ref, l_ref, o10_ref, o20_ref, o100_ref):
    v = v_ref[...][:, 1:_MAXK]
    lab = l_ref[...][:, 1:_MAXK]
    z = v * (1.0 / _TEMP)
    z = z - jnp.max(z, axis=1, keepdims=True)
    e = jnp.exp(z)
    w = e / jnp.sum(e, axis=1, keepdims=True)
    bq = v.shape[0]
    cls = jax.lax.broadcasted_iota(jnp.int32, (bq, _MAXK - 1, _NCLS), 2)
    big = jnp.where(lab[:, :, None] == cls, w[:, :, None], 0.0)
    s10 = jnp.sum(big[:, :10], axis=1)
    s20 = s10 + jnp.sum(big[:, 10:20], axis=1)
    s100 = s20 + jnp.sum(big[:, 20:], axis=1)
    o10_ref[...] = s10
    o20_ref[...] = s20
    o100_ref[...] = s100


def kernel(features, train_features, train_labels):
    tft = jnp.pad(train_features, ((0, _NPAD - _NTRAIN), (0, 0))).T
    tl_pad = jnp.pad(train_labels, (0, _NPAD - _NTRAIN))

    sims, gmax, g2max = pl.pallas_call(
        _sim_kernel,
        grid=(_NB,),
        in_specs=[
            pl.BlockSpec((_NQ, 64), lambda i: (0, 0)),
            pl.BlockSpec((64, _TB), lambda i: (0, i)),
        ],
        out_specs=[
            pl.BlockSpec((_NQ, _TB), lambda i: (0, i)),
            pl.BlockSpec((_NQ, 128), lambda i: (0, i)),
            pl.BlockSpec((_NQ, 128), lambda i: (0, i // _B2)),
        ],
        out_shape=[
            jax.ShapeDtypeStruct((_NQ, _NPAD), jnp.float32),
            jax.ShapeDtypeStruct((_NQ, _NG), jnp.float32),
            jax.ShapeDtypeStruct((_NQ, _NG2), jnp.float32),
        ],
    )(features, tft)

    _, g2idx = jax.lax.top_k(g2max, _TOPG)
    l1cand = (((g2idx[..., None] // 128) * _B2
               + jnp.arange(_B2, dtype=jnp.int32)) * 128
              + g2idx[..., None] % 128).reshape(_NQ, _TOPG * _B2)
    gvals = jnp.take_along_axis(gmax, l1cand, axis=1)
    _, posg = jax.lax.top_k(gvals, _TOPG)
    gidx = jnp.take_along_axis(l1cand, posg, axis=1)
    cand_idx = ((gidx[..., None] // 128) * _TB + gidx[..., None] % 128
                + 128 * jnp.arange(_VR, dtype=jnp.int32)
                ).reshape(_NQ, _TOPG * _VR)
    cand = jnp.take_along_axis(sims, cand_idx, axis=1)
    vals, pos = jax.lax.top_k(cand, _MAXK)
    gi = jnp.take_along_axis(cand_idx, pos, axis=1)
    labs = jnp.take(tl_pad, gi, axis=0)

    vals_p = jnp.pad(vals, ((0, 0), (0, 128 - _MAXK)), constant_values=-1e30)
    labs_p = jnp.pad(labs, ((0, 0), (0, 128 - _MAXK)))

    qb = 32
    o10, o20, o100 = pl.pallas_call(
        _vote_kernel,
        grid=(_NQ // qb,),
        in_specs=[
            pl.BlockSpec((qb, 128), lambda i: (i, 0)),
            pl.BlockSpec((qb, 128), lambda i: (i, 0)),
        ],
        out_specs=[
            pl.BlockSpec((qb, _NCLS), lambda i: (i, 0)),
            pl.BlockSpec((qb, _NCLS), lambda i: (i, 0)),
            pl.BlockSpec((qb, _NCLS), lambda i: (i, 0)),
        ],
        out_shape=[
            jax.ShapeDtypeStruct((_NQ, _NCLS), jnp.float32),
            jax.ShapeDtypeStruct((_NQ, _NCLS), jnp.float32),
            jax.ShapeDtypeStruct((_NQ, _NCLS), jnp.float32),
        ],
    )(vals_p, labs_p)
    return (o10, o20, o100)

# --- scband reference (transcript-rebuilt; emitter-appended) ---
"""Pipeline reference for scband-knn-module-single-14053132992611 (READ-ONLY COPY).

The authoritative reference and input builder live on the scoring server;
editing this copy changes nothing except your own understanding.
"""

import jax, jax.numpy as jnp
import numpy as np

KS = (10, 20, 100)
TEMPERATURE = 0.07
NUM_CLASSES = 1000
SKIP_FIRST_NN = True
MAX_K = max(KS) + (1 if SKIP_FIRST_NN else 0)
NUM_TRAIN = 100000
D = 64
B = 1024

def setup_inputs(seed: int = 0) -> dict:
    key = jax.random.key(seed)
    k1, k2, k3 = jax.random.split(key, 3)
    features = jax.random.normal(k1, (B, D), dtype=jnp.float32)
    train_features = jax.random.normal(k2, (NUM_TRAIN, D), dtype=jnp.float32)
    train_labels = jax.random.randint(k3, (NUM_TRAIN,), 0, NUM_CLASSES, dtype=jnp.int32)
    return {"features": features, "train_features": train_features, "train_labels": train_labels}

def reference(features, train_features, train_labels):
    # sims = features @ train_features.T  (train_features_T path, train_chunk_size=0)
    sims = jnp.matmul(features, train_features.T)
    k = min(MAX_K, sims.shape[1])
    topk_sims, topk_indices = jax.lax.top_k(sims, k)
    if SKIP_FIRST_NN:
        topk_sims = topk_sims[:, 1:]
        topk_indices = topk_indices[:, 1:]
    neighbors_labels = jnp.take(train_labels, topk_indices, axis=0)
    topk_sims_transform = jax.nn.softmax(topk_sims / TEMPERATURE, axis=1)
    voting_coefficient = topk_sims_transform[..., None]
    onehot = jax.nn.one_hot(neighbors_labels, NUM_CLASSES, dtype=voting_coefficient.dtype)
    matmul = onehot * voting_coefficient
    return tuple(jnp.sum(matmul[:, :kk, :], axis=1) for kk in KS)

if __name__ == "__main__":
    import jax
    _d = setup_inputs()
    print(jax.jit(kernel)(*tuple(_d.values())))

</pallas_src>

<mosaic_0001>
module attributes {stable_mosaic.version = 14 : i64} {
  func.func @_sim_kernel(%arg0: i32, %arg1: memref<1024x64xf32, #tpu.memory_space<vmem>>, %arg2: memref<64x2048xf32, #tpu.memory_space<vmem>>, %arg3: memref<1024x2048xf32, #tpu.memory_space<vmem>>, %arg4: memref<1024x128xf32, #tpu.memory_space<vmem>>, %arg5: memref<1024x128xf32, #tpu.memory_space<vmem>>) attributes {dimension_semantics = [#tpu.dimension_semantics<arbitrary>], iteration_bounds = array<i64: 49>, scalar_prefetch = 0 : i64, scratch_operands = 0 : i64, tpu.core_type = #tpu.core_type<tc>, window_params = [{pipeline_mode = #tpu.pipeline_mode<synchronous>, transform_indices = @transform_0, window_bounds = array<i64: 1024, 64>}, {transform_indices = @transform_1, window_bounds = array<i64: 64, 2048>}, {transform_indices = @transform_2, window_bounds = array<i64: 1024, 2048>}, {transform_indices = @transform_3, window_bounds = array<i64: 1024, 128>}, {transform_indices = @transform_4, window_bounds = array<i64: 1024, 128>}]} {
    %get3A = arith.constant 0 : index
    %get3A_0 = arith.constant 0 : index
    %get3A_1 = vector.load %arg1[%get3A, %get3A_0] : memref<1024x64xf32, #tpu.memory_space<vmem>>, vector<1024x64xf32>
    %get3A_2 = arith.constant 0 : index
    %get3A_3 = arith.constant 0 : index
    %get3A_4 = vector.load %arg2[%get3A_2, %get3A_3] : memref<64x2048xf32, #tpu.memory_space<vmem>>, vector<64x2048xf32>
    %dot_general3A = arith.constant dense<0.000000e+00> : vector<1024x2048xf32>
    %dot_general3A_5 = tpu.matmul %get3A_1, %get3A_4, %dot_general3A {dimension_numbers = #tpu.dot_dimension_numbers<[1], [0], [0], [1], [0, 0, 1, 1], [], []>, transpose_lhs_hint = false} : vector<1024x64xf32>, vector<64x2048xf32>, vector<1024x2048xf32> -> vector<1024x2048xf32>
    %mul3A = arith.constant 2048 : i32
    %mul3A_6 = arith.muli %arg0, %mul3A : i32
    %iota3A = tpu.iota {dimensions = array<i32: 1>} : vector<1024x2048xi32>
    %add3A = vector.broadcast %mul3A_6 : i32 to vector<1024x2048xi32>
    %add3A_7 = arith.addi %add3A, %iota3A : vector<1024x2048xi32>
    %lt3A = arith.constant 100000 : i32
    %lt3A_8 = vector.broadcast %lt3A : i32 to vector<1024x2048xi32>
    %lt3A_9 = arith.cmpi slt, %add3A_7, %lt3A_8 : vector<1024x2048xi32>
    %jit3A = arith.constant -1.000000e+30 : f32
    %broadcast_in_dim3A = vector.broadcast %jit3A : f32 to vector<1024x2048xf32>
    %select_n3A = arith.select %lt3A_9, %dot_general3A_5, %broadcast_in_dim3A : vector<1024x2048xi1>, vector<1024x2048xf32>
    %swap3A = arith.constant 0 : index
    %swap3A_10 = arith.constant 0 : index
    %swap3A_11 = vector.load %arg3[%swap3A, %swap3A_10] : memref<1024x2048xf32, #tpu.memory_space<vmem>>, vector<1024x2048xf32>
    tpu.vector_store %arg3[%swap3A, %swap3A_10], %select_n3A {strides = array<i32>} : memref<1024x2048xf32, #tpu.memory_space<vmem>>, vector<1024x2048xf32>,
    %reshape3A = vector.shape_cast %select_n3A : vector<1024x2048xf32> to vector<1024x16x128xf32>
    %reduce_max3A = arith.constant dense<0xFF800000> : vector<1024x128xf32>
    %reduce_max3A_12 = vector.multi_reduction <maximumf>, %reshape3A, %reduce_max3A [1] : vector<1024x16x128xf32> to vector<1024x128xf32>
    %swap3A_13 = arith.constant 0 : index
    %swap3A_14 = arith.constant 0 : index
    %swap3A_15 = vector.load %arg4[%swap3A_13, %swap3A_14] : memref<1024x128xf32, #tpu.memory_space<vmem>>, vector<1024x128xf32>
    tpu.vector_store %arg4[%swap3A_13, %swap3A_14], %reduce_max3A_12 {strides = array<i32>} : memref<1024x128xf32, #tpu.memory_space<vmem>>, vector<1024x128xf32>,
    %jit3A_16 = arith.constant 7 : i32
    %eq3A = arith.constant 0 : i32
    %eq3A_17 = arith.cmpi eq, %jit3A_16, %eq3A : i32
    %jit3A_18 = arith.constant 1 : i32
    %select_n3A_19 = arith.select %eq3A_17, %jit3A_18, %jit3A_16 : i32
    %rem3A = arith.remsi %arg0, %select_n3A_19 : i32
    %ne3A = arith.constant 0 : i32
    %ne3A_20 = arith.cmpi ne, %rem3A, %ne3A : i32
    %lt3A_21 = arith.constant 0 : i32
    %lt3A_22 = arith.cmpi slt, %rem3A, %lt3A_21 : i32
    %lt3A_23 = arith.constant 0 : i32
    %lt3A_24 = arith.cmpi slt, %select_n3A_19, %lt3A_23 : i32
    %ne3A_25 = arith.xori %lt3A_22, %lt3A_24 : i1
    %and3A = arith.andi %ne3A_25, %ne3A_20 : i1
    %add3A_26 = arith.addi %rem3A, %select_n3A_19 : i32
    %select_n3A_27 = arith.select %and3A, %add3A_26, %rem3A : i32
    %eq3A_28 = arith.constant 0 : i32
    %eq3A_29 = arith.cmpi eq, %select_n3A_27, %eq3A_28 : i32
    %convert_element_type3A = arith.extui %eq3A_29 : i1 to i32
    %cond3A = arith.constant 0 : i32
    %cond3A_30 = arith.cmpi ne, %convert_element_type3A, %cond3A : i32
    scf.if %cond3A_30 {
      %swap3A_52 = arith.constant 0 : index
      %swap3A_53 = arith.constant 0 : index
      %swap3A_54 = vector.load %arg5[%swap3A_52, %swap3A_53] : memref<1024x128xf32, #tpu.memory_space<vmem>>, vector<1024x128xf32>
      tpu.vector_store %arg5[%swap3A_52, %swap3A_53], %reduce_max3A_12 {strides = array<i32>} : memref<1024x128xf32, #tpu.memory_space<vmem>>, vector<1024x128xf32>,
    } else {
    }
    %jit3A_31 = arith.constant 7 : i32
    %eq3A_32 = arith.constant 0 : i32
    %eq3A_33 = arith.cmpi eq, %jit3A_31, %eq3A_32 : i32
    %jit3A_34 = arith.constant 1 : i32
    %select_n3A_35 = arith.select %eq3A_33, %jit3A_34, %jit3A_31 : i32
    %rem3A_36 = arith.remsi %arg0, %select_n3A_35 : i32
    %ne3A_37 = arith.constant 0 : i32
    %ne3A_38 = arith.cmpi ne, %rem3A_36, %ne3A_37 : i32
    %lt3A_39 = arith.constant 0 : i32
    %lt3A_40 = arith.cmpi slt, %rem3A_36, %lt3A_39 : i32
    %lt3A_41 = arith.constant 0 : i32
    %lt3A_42 = arith.cmpi slt, %select_n3A_35, %lt3A_41 : i32
    %ne3A_43 = arith.xori %lt3A_40, %lt3A_42 : i1
    %and3A_44 = arith.andi %ne3A_43, %ne3A_38 : i1
    %add3A_45 = arith.addi %rem3A_36, %select_n3A_35 : i32
    %select_n3A_46 = arith.select %and3A_44, %add3A_45, %rem3A_36 : i32
    %ne3A_47 = arith.constant 0 : i32
    %ne3A_48 = arith.cmpi ne, %select_n3A_46, %ne3A_47 : i32
    %convert_element_type3A_49 = arith.extui %ne3A_48 : i1 to i32
    %cond3A_50 = arith.constant 0 : i32
    %cond3A_51 = arith.cmpi ne, %convert_element_type3A_49, %cond3A_50 : i32
    scf.if %cond3A_51 {
      %get3A_52 = arith.constant 0 : index
      %get3A_53 = arith.constant 0 : index
      %get3A_54 = vector.load %arg5[%get3A_52, %get3A_53] : memref<1024x128xf32, #tpu.memory_space<vmem>>, vector<1024x128xf32>
      %max3A = arith.maximumf %get3A_54, %reduce_max3A_12 : vector<1024x128xf32>
      %swap3A_55 = arith.constant 0 : index
      %swap3A_56 = arith.constant 0 : index
      %swap3A_57 = vector.load %arg5[%swap3A_55, %swap3A_56] : memref<1024x128xf32, #tpu.memory_space<vmem>>, vector<1024x128xf32>
      tpu.vector_store %arg5[%swap3A_55, %swap3A_56], %max3A {strides = array<i32>} : memref<1024x128xf32, #tpu.memory_space<vmem>>, vector<1024x128xf32>,
    } else {
    }
    return
  }
  func.func @transform_0(%arg0: i32) -> (i32, i32) {
    %c0_i32 = arith.constant 0 : i32
    %c0_i32_0 = arith.constant 0 : i32
    %c0_i32_1 = arith.constant 0 : i32
    return %c0_i32, %c0_i32_0 : i32, i32
  }
  func.func @transform_1(%arg0: i32) -> (i32, i32) {
    %c0_i32 = arith.constant 0 : i32
    %c0_i32_0 = arith.constant 0 : i32
    return %c0_i32, %arg0 : i32, i32
  }
  func.func @transform_2(%arg0: i32) -> (i32, i32) {
    %c0_i32 = arith.constant 0 : i32
    %c0_i32_0 = arith.constant 0 : i32
    return %c0_i32, %arg0 : i32, i32
  }
  func.func @transform_3(%arg0: i32) -> (i32, i32) {
    %c0_i32 = arith.constant 0 : i32
    %c0_i32_0 = arith.constant 0 : i32
    return %c0_i32, %arg0 : i32, i32
  }
  func.func @transform_4(%arg0: i32) -> (i32, i32) {
    %jit3A = arith.constant 7 : i32
    %div3A = arith.divsi %arg0, %jit3A : i32
    %sign3A = arith.constant 0 : i32
    %sign3A_0 = arith.cmpi sgt, %arg0, %sign3A : i32
    %sign3A_1 = arith.extui %sign3A_0 : i1 to i32
    %sign3A_2 = arith.constant 0 : i32
    %sign3A_3 = arith.cmpi slt, %arg0, %sign3A_2 : i32
    %sign3A_4 = arith.extui %sign3A_3 : i1 to i32
    %sign3A_5 = arith.subi %sign3A_1, %sign3A_4 : i32
    %sign3A_6 = arith.constant 0 : i32
    %sign3A_7 = arith.cmpi sgt, %jit3A, %sign3A_6 : i32
    %sign3A_8 = arith.extui %sign3A_7 : i1 to i32
    %sign3A_9 = arith.constant 0 : i32
    %sign3A_10 = arith.cmpi slt, %jit3A, %sign3A_9 : i32
    %sign3A_11 = arith.extui %sign3A_10 : i1 to i32
    %sign3A_12 = arith.subi %sign3A_8, %sign3A_11 : i32
    %ne3A = arith.cmpi ne, %sign3A_5, %sign3A_12 : i32
    %rem3A = arith.remsi %arg0, %jit3A : i32
    %ne3A_13 = arith.constant 0 : i32
    %ne3A_14 = arith.cmpi ne, %rem3A, %ne3A_13 : i32
    %and3A = arith.andi %ne3A, %ne3A_14 : i1
    %sub3A = arith.constant 1 : i32
    %sub3A_15 = arith.subi %div3A, %sub3A : i32
    %select_n3A = arith.select %and3A, %sub3A_15, %div3A : i32
    %c0_i32 = arith.constant 0 : i32
    %c0_i32_16 = arith.constant 0 : i32
    return %c0_i32, %select_n3A : i32, i32
  }
}

module attributes {stable_mosaic.version = 14 : i64} {
  func.func @_vote_kernel(%arg0: i32, %arg1: memref<32x128xf32, #tpu.memory_space<vmem>>, %arg2: memref<32x128xi32, #tpu.memory_space<vmem>>, %arg3: memref<32x1000xf32, #tpu.memory_space<vmem>>, %arg4: memref<32x1000xf32, #tpu.memory_space<vmem>>, %arg5: memref<32x1000xf32, #tpu.memory_space<vmem>>) attributes {dimension_semantics = [#tpu.dimension_semantics<arbitrary>], iteration_bounds = array<i64: 32>, scalar_prefetch = 0 : i64, scratch_operands = 0 : i64, tpu.core_type = #tpu.core_type<tc>, window_params = [{transform_indices = @transform_0, window_bounds = array<i64: 32, 128>}, {transform_indices = @transform_1, window_bounds = array<i64: 32, 128>}, {transform_indices = @transform_2, window_bounds = array<i64: 32, 1000>}, {transform_indices = @transform_3, window_bounds = array<i64: 32, 1000>}, {transform_indices = @transform_4, window_bounds = array<i64: 32, 1000>}]} {
    %get3A = arith.constant 0 : index
    %get3A_0 = arith.constant 0 : index
    %get3A_1 = vector.load %arg1[%get3A, %get3A_0] : memref<32x128xf32, #tpu.memory_space<vmem>>, vector<32x128xf32>
    %slice3A = vector.extract_strided_slice %get3A_1 {offsets = [0, 1], sizes = [32, 100], strides = [1, 1]} : vector<32x128xf32> to vector<32x100xf32>
    %get3A_2 = arith.constant 0 : index
    %get3A_3 = arith.constant 0 : index
    %get3A_4 = vector.load %arg2[%get3A_2, %get3A_3] : memref<32x128xi32, #tpu.memory_space<vmem>>, vector<32x128xi32>
    %slice3A_5 = vector.extract_strided_slice %get3A_4 {offsets = [0, 1], sizes = [32, 100], strides = [1, 1]} : vector<32x128xi32> to vector<32x100xi32>
    %mul3A = arith.constant 14.2857141 : f32
    %mul3A_6 = vector.broadcast %mul3A : f32 to vector<32x100xf32>
    %mul3A_7 = arith.mulf %slice3A, %mul3A_6 : vector<32x100xf32>
    %reduce_max3A = arith.constant dense<0xFF800000> : vector<32xf32>
    %reduce_max3A_8 = vector.multi_reduction <maximumf>, %mul3A_7, %reduce_max3A [1] : vector<32x100xf32> to vector<32xf32>
    %broadcast_in_dim3A = vector.shape_cast %reduce_max3A_8 : vector<32xf32> to vector<32x1xf32>
    %sub3A = vector.broadcast %broadcast_in_dim3A : vector<32x1xf32> to vector<32x100xf32>
    %sub3A_9 = arith.subf %mul3A_7, %sub3A : vector<32x100xf32>
    %exp3A = math.exp %sub3A_9 : vector<32x100xf32>
    %reduce_sum3A = arith.constant dense<0.000000e+00> : vector<32xf32>
    %reduce_sum3A_10 = vector.multi_reduction <add>, %exp3A, %reduce_sum3A [1] : vector<32x100xf32> to vector<32xf32>
    %broadcast_in_dim3A_11 = vector.shape_cast %reduce_sum3A_10 : vector<32xf32> to vector<32x1xf32>
    %div3A = vector.broadcast %broadcast_in_dim3A_11 : vector<32x1xf32> to vector<32x100xf32>
    %div3A_12 = arith.divf %exp3A, %div3A : vector<32x100xf32>
    %iota3A = tpu.iota {dimensions = array<i32: 2>} : vector<32x100x1000xi32>
    %broadcast_in_dim3A_13 = vector.shape_cast %slice3A_5 : vector<32x100xi32> to vector<32x100x1xi32>
    %eq3A = vector.broadcast %broadcast_in_dim3A_13 : vector<32x100x1xi32> to vector<32x100x1000xi32>
    %eq3A_14 = arith.cmpi eq, %eq3A, %iota3A : vector<32x100x1000xi32>
    %broadcast_in_dim3A_15 = vector.shape_cast %div3A_12 : vector<32x100xf32> to vector<32x100x1xf32>
    %jit3A = arith.constant 0.000000e+00 : f32
    %broadcast_in_dim3A_16 = vector.shape_cast %broadcast_in_dim3A_15 : vector<32x100x1xf32> to vector<32x100x1xf32>
    %broadcast_in_dim3A_17 = vector.broadcast %broadcast_in_dim3A_16 : vector<32x100x1xf32> to vector<32x100x1000xf32>
    %broadcast_in_dim3A_18 = vector.broadcast %jit3A : f32 to vector<32x100x1000xf32>
    %select_n3A = arith.select %eq3A_14, %broadcast_in_dim3A_17, %broadcast_in_dim3A_18 : vector<32x100x1000xi1>, vector<32x100x1000xf32>
    %slice3A_19 = vector.extract_strided_slice %select_n3A {offsets = [0, 0, 0], sizes = [32, 10, 1000], strides = [1, 1, 1]} : vector<32x100x1000xf32> to vector<32x10x1000xf32>
    %reduce_sum3A_20 = arith.constant dense<0.000000e+00> : vector<32x1000xf32>
    %reduce_sum3A_21 = vector.multi_reduction <add>, %slice3A_19, %reduce_sum3A_20 [1] : vector<32x10x1000xf32> to vector<32x1000xf32>
    %slice3A_22 = vector.extract_strided_slice %select_n3A {offsets = [0, 10, 0], sizes = [32, 10, 1000], strides = [1, 1, 1]} : vector<32x100x1000xf32> to vector<32x10x1000xf32>
    %reduce_sum3A_23 = arith.constant dense<0.000000e+00> : vector<32x1000xf32>
    %reduce_sum3A_24 = vector.multi_reduction <add>, %slice3A_22, %reduce_sum3A_23 [1] : vector<32x10x1000xf32> to vector<32x1000xf32>
    %add3A = arith.addf %reduce_sum3A_21, %reduce_sum3A_24 : vector<32x1000xf32>
    %slice3A_25 = vector.extract_strided_slice %select_n3A {offsets = [0, 20, 0], sizes = [32, 80, 1000], strides = [1, 1, 1]} : vector<32x100x1000xf32> to vector<32x80x1000xf32>
    %reduce_sum3A_26 = arith.constant dense<0.000000e+00> : vector<32x1000xf32>
    %reduce_sum3A_27 = vector.multi_reduction <add>, %slice3A_25, %reduce_sum3A_26 [1] : vector<32x80x1000xf32> to vector<32x1000xf32>
    %add3A_28 = arith.addf %add3A, %reduce_sum3A_27 : vector<32x1000xf32>
    %swap3A = arith.constant 0 : index
    %swap3A_29 = arith.constant 0 : index
    %swap3A_30 = vector.load %arg3[%swap3A, %swap3A_29] : memref<32x1000xf32, #tpu.memory_space<vmem>>, vector<32x1000xf32>
    tpu.vector_store %arg3[%swap3A, %swap3A_29], %reduce_sum3A_21 {strides = array<i32>} : memref<32x1000xf32, #tpu.memory_space<vmem>>, vector<32x1000xf32>,
    %swap3A_31 = arith.constant 0 : index
    %swap3A_32 = arith.constant 0 : index
    %swap3A_33 = vector.load %arg4[%swap3A_31, %swap3A_32] : memref<32x1000xf32, #tpu.memory_space<vmem>>, vector<32x1000xf32>
    tpu.vector_store %arg4[%swap3A_31, %swap3A_32], %add3A {strides = array<i32>} : memref<32x1000xf32, #tpu.memory_space<vmem>>, vector<32x1000xf32>,
    %swap3A_34 = arith.constant 0 : index
    %swap3A_35 = arith.constant 0 : index
    %swap3A_36 = vector.load %arg5[%swap3A_34, %swap3A_35] : memref<32x1000xf32, #tpu.memory_space<vmem>>, vector<32x1000xf32>
    tpu.vector_store %arg5[%swap3A_34, %swap3A_35], %add3A_28 {strides = array<i32>} : memref<32x1000xf32, #tpu.memory_space<vmem>>, vector<32x1000xf32>,
    return
  }
  func.func @transform_0(%arg0: i32) -> (i32, i32) {
    %c0_i32 = arith.constant 0 : i32
    %c0_i32_0 = arith.constant 0 : i32
    return %arg0, %c0_i32 : i32, i32
  }
  func.func @transform_1(%arg0: i32) -> (i32, i32) {
    %c0_i32 = arith.constant 0 : i32
    %c0_i32_0 = arith.constant 0 : i32
    return %arg0, %c0_i32 : i32, i32
  }
  func.func @transform_2(%arg0: i32) -> (i32, i32) {
    %c0_i32 = arith.constant 0 : i32
    %c0_i32_0 = arith.constant 0 : i32
    return %arg0, %c0_i32 : i32, i32
  }
  func.func @transform_3(%arg0: i32) -> (i32, i32) {
    %c0_i32 = arith.constant 0 : i32
    %c0_i32_0 = arith.constant 0 : i32
    return %arg0, %c0_i32 : i32, i32
  }
  func.func @transform_4(%arg0: i32) -> (i32, i32) {
    %c0_i32 = arith.constant 0 : i32
    %c0_i32_0 = arith.constant 0 : i32
    return %arg0, %c0_i32 : i32, i32
  }
}

</mosaic_0001>

<sc_bundles>
// kernel: gather_offload_async_start.1
scs
__scs_entry_jumppad:
0x0: {  	(pc) =	sbr.rel $0x88, $3  }
0x1: {  	(tag) =	ssettag $0x0;
	lr =	simm.s32 $0x1  }
0x2: {  	[smem:$0x3F9E] =	sst lr;
	_ =	strace $0xD0000000  }
0x3: {  	_ = 	snop  }
0x4: {  	_ = 	snop  }
0x5: {  	_ = 	snop  }
0x6: {  	_ = 	snop  }
0x7: {  	_ = 	snop  }
__scs_overlays_trampoline_lowered:
0x8: {  	[smem:$0x3FAD] =	sst s0  }
0x9: {  	[smem:$0x3FAE] =	sst s1  }
0xa: {  	[smem:$0x3FAF] =	sst s2  }
0xb: {  	[smem:$0x3FB0] =	sst s3  }
0xc: {  	[smem:$0x3FB1] =	sst s4  }
0xd: {  	[smem:$0x3FB2] =	sst s5  }
0xe: {  	[smem:$0x3FB3] =	sst s6  }
0xf: {  	[smem:$0x3FB4] =	sst s7  }
0x10: {  	[smem:$0x3FB5] =	sst s8  }
0x11: {  	[smem:$0x3FB6] =	sst s9;
	s0 =	simm.s32 @!p0 $0x0  }
0x12: {  	s1 =	sld [smem:$0x3F9C];
	s0 =	simm.s32 @p0 $0x1  }
0x13: {  	[smem:$0x3FB7] =	sst s0;
	s0 =	simm.s32 @!p1 $0x0  }
0x14: {  	s2 =	sld [smem:$0x3F9B];
	s0 =	simm.s32 @p1 $0x1  }
0x15: {  	[smem:$0x3FB8] =	sst s0;
	s0 =	simm.s32 @!p2 $0x0  }
0x16: {  	s3 =	sld [smem:$0x3FDB];
	s0 =	simm.s32 @p2 $0x1  }
0x17: {  	s4 =	simm.s32 $0x1BF5;
	[smem:$0x3FBA] =	sst s0  }
0x18: {  	s0 =	sld [smem:$0x3F9D];
	_ =	swait.ge [sflag:s4], $0x0  }
0x19: {  	s7 =	sld [smem:$0x3F9E]  }
0x1a: {  	s8 =	sadd.s32 $0xFFFFE003, lr  }
0x1b: {  	s9 =	sadd.s32 $0xFFFFFEF7, lr;
	s5 =	simm.s32 $0xFFFFFFFF;
	p2 =	slt.u32 s8, $0xFFFFF086  }
0x1c: {  	p1 =	slt.u32 s9, $0xF7A;
	s5 =	simm.s32 @!p2 $0x0  }
0x1d: {  	s5 =	simm.s32 @p1 $0x1;
	p0 =	seq.s32 s7, s2  }
0x1e: {  	s7 =	smul.u32 @!p0 $0xF7A, s2;
	p2 =	seq.s32 @!p0 s5, $0x0  }
0x1f: {  	s9 =	smul.u32 $0xF7A, s1;
	s8 =	simm.s32 @!p0 $0x1BF5;
	p2 =	por !p2, p0  }
0x20: {  	[sflag:s8] =	ssyncset.s32 @!p0 $0xFFFFF086;
	s6 =	sadd.s32 @!p0 s3, s7;
	s7 =	simm.s32 @!p0 $0x108  }
0x21: {  	s3 =	sadd.s32 s3, s9;
	s6 =	sadd.s32 @!p0 $0x88, s6;
	s7 =	simm.s32 @p2 $0x1082  }
0x22: {  	[simem:s7], [sflag:s8] =	dma.local @!p0 [hbm:s6], $0xF7A  }
0x23: {  	s9 =	sor.u32 $0xD0000000, s2;
	s6 =	simm.s32 $0x108;
	_ =	swait.ge @!p0 [sflag:s8], $0x0  }
0x24: {  	s3 =	sadd.s32 $0x88, s3;
	s6 =	simm.s32 @!p1 $0x1082;
	[sflag:s4] =	ssyncset.s32 $0xFFFFF086  }
0x25: {  	[simem:s6], [sflag:s4] =	dma.local [hbm:s3], $0xF7A  }
0x26: {  	[smem:$0x3F9E] =	sst s1;
	(tag) =	ssettag s2;
	_ =	strace s9  }
0x27: {  	s1 =	sld [smem:$0x3FAE]  }
0x28: {  	s2 =	sld [smem:$0x3FAF]  }
0x29: {  	s4 =	sld [smem:$0x3FB1]  }
0x2a: {  	p0 =	seq.s32 s5, $0x0;
	s5 =	sld [smem:$0x3FB2]  }
0x2b: {  	s6 =	sld [smem:$0x3FB3]  }
0x2c: {  	s7 =	sld [smem:$0x3FB4]  }
0x2d: {  	s3 =	simm.s32 $0x108;
	s8 =	sld [smem:$0x3FB5]  }
0x2e: {  	s3 =	simm.s32 @!p0 $0x1082;
	s9 =	sld [smem:$0x3FB6]  }
0x2f: {  	lr =	sadd.s32 s0, s3;
	s0 =	sld [smem:$0x3FAD]  }
0x30: {  	s3 =	sld [smem:$0x3FB0]  }
0x31: {  	[smem:$0x3FB9] =	sst s10  }
0x32: {  	s10 =	sld [smem:$0x3FB7];
	_ =	sdelay $0x3  }
0x33: {  	p0 =	seq.s32 s10, $0x1;
	s10 =	sld [smem:$0x3FB9];
	_ =	sdelay $0x3  }
0x34: {  	[smem:$0x3FB9] =	sst s10  }
0x35: {  	s10 =	sld [smem:$0x3FB8];
	_ =	sdelay $0x3  }
0x36: {  	p1 =	seq.s32 s10, $0x1;
	s10 =	sld [smem:$0x3FB9];
	_ =	sdelay $0x3  }
0x37: {  	[smem:$0x3FB9] =	sst s10  }
0x38: {  	s10 =	sld [smem:$0x3FBA]  }
0x39: {  	_ = 	snop;
	(pc) =	sbr.ind lr, $3  }
0x3a: {  	_ = 	snop  }
0x3b: {  	_ = 	snop  }
0x3c: {  	p2 =	seq.s32 s10, $0x1;
	s10 =	sld [smem:$0x3FB9]  }
0x3d: {  	_ =	shalt  }
0x3e: {  	_ =	shalt  }
0x3f: {  	_ =	shalt  }
0x40: {  	_ =	shalt  }
0x41: {  	_ =	shalt  }
0x42: {  	_ =	shalt  }
0x43: {  	_ =	shalt  }
0x44: {  	_ =	shalt  }
0x45: {  	_ =	shalt  }
0x46: {  	_ =	shalt  }
0x47: {  	_ =	shalt  }
0x48: {  	_ =	shalt  }
0x49: {  	_ =	shalt  }
0x4a: {  	_ =	shalt  }
0x4b: {  	_ =	shalt  }
0x4c: {  	_ =	shalt  }
0x4d: {  	_ =	shalt  }
0x4e: {  	_ =	shalt  }
0x4f: {  	_ =	shalt  }
0x50: {  	_ =	shalt  }
0x51: {  	_ =	shalt  }
0x52: {  	_ =	shalt  }
0x53: {  	_ =	shalt  }
0x54: {  	_ =	shalt  }
0x55: {  	_ =	shalt  }
0x56: {  	_ =	shalt  }
0x57: {  	_ =	shalt  }
0x58: {  	_ =	shalt  }
0x59: {  	_ =	shalt  }
0x5a: {  	_ =	shalt  }
0x5b: {  	_ =	shalt  }
0x5c: {  	_ =	shalt  }
0x5d: {  	_ =	shalt  }
0x5e: {  	_ =	shalt  }
0x5f: {  	_ =	shalt  }
0x60: {  	_ =	shalt  }
0x61: {  	_ =	shalt  }
0x62: {  	_ =	shalt  }
0x63: {  	_ =	shalt  }
0x64: {  	_ =	shalt  }
0x65: {  	_ =	shalt  }
0x66: {  	_ =	shalt  }
0x67: {  	_ =	shalt  }
0x68: {  	_ =	shalt  }
0x69: {  	_ =	shalt  }
0x6a: {  	_ =	shalt  }
0x6b: {  	_ =	shalt  }
0x6c: {  	_ =	shalt  }
0x6d: {  	_ =	shalt  }
0x6e: {  	_ =	shalt  }
0x6f: {  	_ =	shalt  }
0x70: {  	_ =	shalt  }
0x71: {  	_ =	shalt  }
0x72: {  	_ =	shalt  }
0x73: {  	_ =	shalt  }
0x74: {  	_ =	shalt  }
0x75: {  	_ =	shalt  }
0x76: {  	_ =	shalt  }
0x77: {  	_ =	shalt  }
0x78: {  	_ =	shalt  }
0x79: {  	_ =	shalt  }
0x7a: {  	_ =	shalt  }
0x7b: {  	_ =	shalt  }
0x7c: {  	_ =	shalt  }
0x7d: {  	_ =	shalt  }
0x7e: {  	_ =	shalt  }
0x7f: {  	_ =	shalt  }
0x80: {  	_ =	shalt  }
0x81: {  	_ =	shalt  }
0x82: {  	_ =	shalt  }
0x83: {  	_ =	shalt  }
0x84: {  	_ =	shalt  }
0x85: {  	_ =	shalt  }
0x86: {  	_ =	shalt  }
0x87: {  	_ =	shalt  }
.Lfunc_end0:
.L_simem_size_0:
called_computation.1_lowered:
.L_overlay_start_0:
0x88: {  	s2 =	sld [smem:$0x3FD9]  }
0x89: {  	s3 =	sld [smem:$0x3FFE];
	_ =	sdelay $0x1  }
0x8a: {  	s1 =	srdreg.scid  }
0x8b: {  	s0 =	sand.u32 $0x1, s1  }
0x8c: {  	s14 =	sshll.u32 s0, $0xA;
	s2 =	sadd.s32 s3, s2  }
0x8d: {  	s2 =	sadd.s32 s2, s14  }
0x8e: {  	[smem:$0x3FC5] =	sst s2  }
0x8f: {  	_ = 	snop  }
0x90: {  	s2 =	sld [smem:$0x3FD0];
	_ =	sdelay $0x2  }
0x91: {  	s15 =	simm.s32 $0xA;
	s4 =	simm.s32 $0x10  }
0x92: {  	[smem:s4], [sflag:s15] =	dma.local [hbm:s2], $0x1  }
0x93: {  	_ =	swait.eq [sflag:s15], $0x1  }
0x94: {  	[sflag:s15] =	ssyncset.done $0x0  }
0x95: {  	[sflag:s15] =	ssyncadd.s32 $0xFFFFFFFF  }
0x96: {  	s16 =	sld [smem:$0x10];
	(tm) =	ssettm $0x1  }
0x97: {  	s17 =	sld [smem:$0x3FFB];
	_ =	sdelay $0x3  }
0x98: {  	_ =	strace s17  }
0x99: {  	s3 =	sld [smem:$0x3FFC];
	_ =	sdelay $0x3  }
0x9a: {  	_ =	strace s3  }
0x9b: {  	s3 =	sld [smem:$0x3FFD];
	_ =	sdelay $0x3  }
0x9c: {  	_ =	strace s3  }
0x9d: {  	_ =	strace $0x8FFFFFFF  }
0x9e: {  	s18 =	sld [smem:$0x3FDB];
	_ =	sdelay $0x1  }
0x9f: {  	s19 =	simm.s32 $_scs_section_size  }
0xa0: {  	s5 =	simm.s32 $_size__tile_overlayer_lowered;
	s6 =	simm.s32 $_tile_overlayer_lowered  }
0xa1: {  	s22 =	simm.s32 $0x1BFF;
	s21 =	sshll.u32 s6, $0x1;
	s3 =	sadd.s32 s19, s18  }
0xa2: {  	s7 =	simm.s32 $0x0;
	s20 =	sshll.u32 s5, $0x1;
	s5 =	sadd.s32 s21, s3  }
0xa3: {  	[timem:s7], [sflag:s22] =	dma.local [hbm:s5], s20  }
0xa4: {  	_ =	swait.ge [sflag:s22], s20  }
0xa5: {  	s4 =	ssub.s32 $0x0, s20;
	[sflag:s22] =	ssyncset.done $0x0  }
0xa6: {  	[sflag:s22] =	ssyncadd.s32 s4;
	_ =	sdelay $0x1  }
0xa7: {  	s23 =	simm.s32 $0x1B8B  }
0xa8: {  	_ =	swait.ge [sflag:s23], $0x1  }
0xa9: {  	[sflag:s23] =	ssyncset.done $0x0  }
0xaa: {  	s25 =	simm.s32 $0x1B8E;
	s24 =	sld [smem:$0x3FFE];
	[sflag:s23] =	ssyncadd.s32 $0xFFFFFFFF  }
0xab: {  	s26 =	simm.s32 $execute0_lowered;
	[smem:$0x3FD2] =	sst s25  }
0xac: {  	s5 =	sshll.u32 s26, $0x1;
	_ =	strace $0x80000046;
	[dreg:$0x1] =	wrdreg $0xFFFFFFFF  }
0xad: {  	s28 =	simm.s32 $_size_execute0_lowered;
	s3 =	sadd.s32 s3, s5;
	[dreg:$0x0] =	wrdreg $0x0  }
0xae: {  	s5 =	sshll.u32 s28, $0x1;
	[dreg:$0x2] =	wrdreg s3  }
0xaf: {  	[dreg:$0x3] =	wrdreg s5  }
0xb0: {  	[dreg:$0x4] =	wrdreg $0xC0  }
0xb1: {  	_ =	task [dreg:s7], $0x5FFFF  }
0xb2: {  	[dreg:$0x1] =	wrdreg $0xFFFFFFFF  }
0xb3: {  	[dreg:$0x0] =	wrdreg $0x60  }
0xb4: {  	[dreg:$0x2] =	wrdreg s24  }
0xb5: {  	[dreg:$0x3] =	wrdreg s16  }
0xb6: {  	[dreg:$0x4] =	wrdreg $0x9  }
0xb7: {  	_ =	task.clear_ibuf [dreg:s7], $0x5FFFF;
	_ =	strace $0x90000046  }
0xb8: {  	s29 =	simm.s32 $0x9;
	_ =	strace $0x80000048  }
0xb9: {  	_ =	swait.ge [sflag:s29], $0x1  }
0xba: {  	[sflag:s29] =	ssyncadd.s32 $0xFFFFFFFF  }
0xbb: {  	_ =	strace $0x90000048  }
0xbc: {  	_ =	sfence  }
0xbd: {  	s30 =	sld [smem:$0x0];
	_ =	sdelay $0x2  }
0xbe: {  	s31 =	sshll.u32 s1, $0xD;
	s1 =	sshrl.u32 s1, $0x2  }
0xbf: {  	s3 =	sand.u32 $0x4000, s31;
	s1 =	sadd.s32 s1, s30  }
0xc0: {  	s0 =	sor.u32 s3, s0;
	s1 =	sshll.u32 s1, $0x11  }
0xc1: {  	s0 =	sor.u32 s1, s0  }
0xc2: {  	s0 =	sadd.s32 $0x8F2B, s0  }
0xc3: {  	[sflag:s0] =	ssyncadd.remote.s32 $0x1  }
0xc4: {  	_ =	sfence.sel $0xFFFF  }
0xc5: {  	[dreg:$0x0] =	wrdreg $0xFFFFFFFF;
	(pc) =	sbr.abs _section_cstart, $3  }
0xc6: {  	[dreg:$0x1] =	wrdreg $0xFFFFFFFF  }
0xc7: {  	_ =	task.clear_ibuf [dreg:s7], $0x2FFFF;
	_ =	strace $0x9FFFFFFF  }
0xc8: {  	(tm) =	ssettm $0x7FFFFFFF  }
0xc9: {  	_ =	shalt  }
tec
execute0_lowered:
.L_overlay_start_1:
0x0: {  	(tag) =	ssettag $0x1  }
0x1: {  	s8 =	rddreg [dreg:$0x0]  }
0x2: {  	s2 =	rddreg [dreg:$0x1]  }
0x3: {  	s0 =	rddreg [dreg:$0x2];
	s1 =	stileid.u32  }
0x4: {  	s3 =	srdreg.scid;
	_ =	strace $0x80000047;
	s4 =	simm.s32 $0x1  }
0x5: {  	s7 =	simm.s32 $0x1;
	s9 =	simm.s32 $0x1;
	s10 =	simm.s32 $0x3  }
0x6: {  	s13 =	simm.s32 $0x0;
	s5 =	sand.u32 $0x1, s3;
	s6 =	sshll.u32 s1, $0x1  }
0x7: {  	s12 =	simm.s32 $0x0;
	s3 =	sadd.s32 $0xC4000, s8;
	s5 =	sor.u32 s6, s5  }
.Ltmp0:
0x8: {  	[sflag:s4] =	ssyncpa.u1 $0x0;
	p0 =	slt.u32 s5, $0x15;
	(pc) =	sbr.rel .LBB2_1-.Ltmp0, $4  }
0x9: {  	s6 =	simm.s32 $0x2;
	s7 =	simm.s32 @!p0 $0x0;
	p0 =	sne.s32 s5, $0x14  }
0xa: {  	[sflag:s6] =	ssyncpa.u1 $0x0;
	s5 =	smul.u32 $0x3800, s5;
	s9 =	simm.s32 @!p0 $0x0  }
0xb: {  	s8 =	sadd.s32 $0x400, s8;
	[sflag:s10] =	ssyncpa.u1 $0x0;
	s7 =	sadd.s32 s9, s7  }
0xc: {  	vm0 =	vmmov $0xffff;
	s10 =	simm.s32 $0x0;
	s11 =	smov.u32 s5;
	s9 =	sadd.s32 $0x1, s7  }
.LBB2_4:
0xd: {  	vm1 =	veq.s32 v4, $0x80000000;
	v56 =	vand.u32 $0x3FF, v4;
	v6 =	vand.u32 $0x1FFF, v6  }
0xe: {  	v2 =	vor.u32 v2, v5;
	v59 =	vshrl.u32 v1, $0xA;
	v60 =	vand.u32 $0x3FF, v1  }
0xf: {  	v4 =	vsel vm1, $0xFFFFFFFF, v56;
	v6 =	vsel vm1, $0xFFFFFFFF, v6;
	v2 =	vor.u32 v3, v2  }
0x10: {  	vm1 =	veq.s32 v1, $0x80000000;
	v5 =	vand.u32 $0x1FFF, v59;
	v7 =	vshrl.u32 v4, $0x3  }
0x11: {  	v57 =	vshll.u32 v6, $0x3;
	v4 =	vshll.u32 v4, $0x7;
	v1 =	vsel vm1, $0xFFFFFFFF, v60  }
0x12: {  	v5 =	vsel vm1, $0xFFFFFFFF, v5;
	v6 =	vand.u32 $0x7F, v6;
	v7 =	vmul.u32 $0xC400, v7  }
0x13: {  	v58 =	vand.u32 $0xFFFFFC00, v57;
	v4 =	vand.u32 $0x380, v4;
	v61 =	vshrl.u32 v1, $0x3  }
0x14: {  	v62 =	vshll.u32 v5, $0x3;
	v3 =	vadd.s32 v7, v58;
	v7 =	vmul.u32 $0xC400, v61  }
0x15: {  	v1 =	vshll.u32 v1, $0x7;
	v3 =	vor.u32 v4, v3;
	v4 =	vand.u32 $0xFFFFFC00, v62  }
0x16: {  	v1 =	vand.u32 $0x380, v1;
	v3 =	vor.u32 v6, v3;
	v4 =	vadd.s32 v7, v4  }
0x17: {  	[tilespmem:s16], [sflag:$0x1] =	stream.indirect_vreg.gather [hbm4b:s3+s10], $0x1, v0, vm0, $0x4038;
	v63 =	vand.u32 $0x7F, v5;
	v1 =	vor.u32 v1, v4;
	[tilespmem:$0xE000] =	vst v63  }
0x18: {  	s15 =	sadd.s32 $0x10, s15;
	(ifvalue) =	ssetifvalue $0x7FFFFFFF;
	v0 =	vor.u32 v63, v1  }
0x19: {  	[tilespmem:s15], [sflag:$0x1] =	stream.indirect_vreg.gather [hbm4b:s3+s10], $0x1, v2, vm0, $0x4038;
	[tilespmem:$0xE000] =	vst v63  }
0x1a: {  	s15 =	sadd.s32 $0x10, s15;
	(ifvalue) =	ssetifvalue $0x7FFFFFFF  }
0x1b: {  	[tilespmem:s15], [sflag:$0x1] =	stream.indirect_vreg.gather [hbm4b:s3+s10], $0x1, v3, vm0, $0x4038;
	[tilespmem:$0xE000] =	vst v63  }
0x1c: {  	s15 =	sadd.s32 $0x10, s15;
	(ifvalue) =	ssetifvalue $0x7FFFFFFF  }
0x1d: {  	[tilespmem:s15], [sflag:$0x1] =	stream.indirect_vreg.gather [hbm4b:s3+s10], $0x1, v0, vm0, $0x4038;
	[tilespmem:$0xE000] =	vst v63  }
0x1e: {  	_ =	swait.ge [sflag:s4], $0x3800  }
0x1f: {  	s30 =	sshrl.u32 s13, $0x3;
	[sflag:s4] =	ssyncset.done $0x0  }
0x20: {  	s31 =	sand.u32 $0x7, s13;
	s15 =	sadd.s32 s8, s30;
	[sflag:s4] =	ssyncadd.s32 $0xFFFFC800  }
0x21: {  	[hbm4b:s15+s31] =	stream.linear.scatter [tilespmem:s14], [sflag:$0x3], $0x3800, $0x38;
	[tilespmem:$0xE000] =	vst v63  }
.LBB2_5:
0x22: {  	s15 =	sadd.s32 $0x70000, s11  }
0x23: {  	p1 =	sgt.s32 s15, $0xB5FFF  }
0x24: {  	s15 =	smov.u32 @p1 s5;
	p1 =	sne.s32 s12, s9  }
.Ltmp1:
0x25: {  	p0 =	slt.u32 s12, $0x2;
	(pc) =	sbr.rel @!p1 .LBB2_6-.Ltmp1, $4  }
0x26: {  	s14 =	simm.s32 @!p0 $0x3  }
0x27: {  	_ =	swait.ge @!p0 [sflag:s14], $0x3800  }
0x28: {  	s16 =	sadd.s32 $0x1, s12;
	s13 =	smov.u32 s11;
	[sflag:s14] =	ssyncset.done @!p0 $0x0  }
0x29: {  	s12 =	smov.u32 s16;
	s11 =	smov.u32 s15;
	[sflag:s14] =	ssyncadd.s32 @!p0 $0xFFFFC800  }
.LBB2_1:
0x2a: {  	p0 =	sge.u32 s12, s7  }
0x2b: {  	s14 =	sxor.u32 @!p0 $0x1, s12  }
0x2c: {  	s14 =	smul.u32 @!p0 $0xE000, s14  }
0x2d: {  	s31 =	sadd.s32 $0xFFFFFFFF, s12;
	s15 =	sshrl.u32 @!p0 s11, $0x3  }
0x2e: {  	s16 =	sand.u32 @!p0 $0x7, s11;
	s15 =	sadd.s32 @!p0 s2, s15;
	s14 =	sshra.s32 @!p0 s14, $0x2  }
0x2f: {  	[tilespmem:s14], [sflag:$0x2] =	stream.linear.gather @!p0 [hbm4b:s15+s16], $0x3800, $0x38;
	[tilespmem:$0xE000] =	vst v63  }
0x30: {  	p0 =	sge.u32 s31, s7  }
.Ltmp2:
0x31: {  	_ = 	snop;
	(pc) =	sbr.rel @p0 .LBB2_5-.Ltmp2, $1  }
0x32: {  	_ =	sdelay $0x3  }
0x33: {  	s14 =	sand.u32 $0x1, s12  }
0x34: {  	_ =	swait.ge [sflag:s6], $0x3800;
	p0 =	seq.s32 s14, $0x1;
	s14 =	simm.s32 $0x3800  }
0x35: {  	[sflag:s6] =	ssyncset.done $0x0;
	s14 =	simm.s32 @!p0 $0x0  }
0x36: {  	[sflag:s6] =	ssyncadd.s32 $0xFFFFC800;
	(ifvalue) =	ssetifvalue $0x7FFFFFFF;
	v0 =	vld.msk [tilespmem:s14+$0x0 ss:$0x1], $0xffff  }
0x37: {  	s15 =	sadd.s32 $0x10, s14  }
0x38: {  	v1 =	vld.msk [tilespmem:s15+$0x0 ss:$0x1], $0xffff;
	_ =	sdelay $0x2  }
0x39: {  	v2 =	vshrl.u32 v0, $0xA  }
0x3a: {  	vm1 =	veq.s32 v0, $0x80000000;
	v0 =	vand.u32 $0x3FF, v0;
	v2 =	vand.u32 $0x1FFF, v2  }
0x3b: {  	v0 =	vsel vm1, $0xFFFFFFFF, v0;
	v6 =	vshrl.u32 v1, $0xA;
	v2 =	vsel vm1, $0xFFFFFFFF, v2  }
0x3c: {  	v3 =	vshrl.u32 v0, $0x3;
	v0 =	vshll.u32 v0, $0x7;
	vm1 =	veq.s32 v1, $0x80000000  }
0x3d: {  	s15 =	sadd.s32 $0x10, s15;
	v1 =	vand.u32 $0x3FF, v1;
	v4 =	vshll.u32 v2, $0x3;
	v3 =	vmul.u32 $0xC400, v3  }
0x3e: {  	v0 =	vand.u32 $0x380, v0;
	v7 =	vand.u32 $0x7F, v2;
	v5 =	vand.u32 $0xFFFFFC00, v4;
	v4 =	vld.msk [tilespmem:s15+$0x0 ss:$0x1], $0xffff  }
0x3f: {  	v1 =	vsel vm1, $0xFFFFFFFF, v1;
	v2 =	vadd.s32 v3, v5;
	v3 =	vand.u32 $0x1FFF, v6  }
0x40: {  	v3 =	vsel vm1, $0xFFFFFFFF, v3;
	v0 =	vor.u32 v0, v2;
	v2 =	vshrl.u32 v1, $0x3  }
0x41: {  	v1 =	vshll.u32 v1, $0x7;
	v5 =	vshll.u32 v3, $0x3;
	v8 =	vmul.u32 $0xC400, v2  }
0x42: {  	s18 =	simm.s32 $0x30;
	s14 =	sadd.s32 $0x7000, s14;
	s17 =	sadd.s32 $0x10, s15;
	v2 =	vand.u32 $0x380, v1;
	v0 =	vor.u32 v7, v0;
	v5 =	vand.u32 $0xFFFFFC00, v5  }
0x43: {  	s16 =	smov.u32 s14;
	s15 =	smov.u32 s14;
	v1 =	vld.msk [tilespmem:s17+$0x0 ss:$0x1], $0xffff;
	v3 =	vand.u32 $0x7F, v3;
	(ifvalue) =	ssetifvalue $0x7FFFFFFF;
	v6 =	vshrl.u32 v4, $0xA;
	v5 =	vadd.s32 v8, v5  }
.LBB2_3:
0x44: {  	s18 =	sadd.s32 $0x10, s18  }
0x45: {  	vm1 =	veq.s32 v4, $0x80000000;
	v4 =	vand.u32 $0x3FF, v4;
	v6 =	vand.u32 $0x1FFF, v6;
	s15 =	sadd.s32 $0x10, s15;
	p0 =	slt.u32 s18, $0x37F0  }
.Ltmp3:
0x46: {  	v5 =	vor.u32 v2, v5;
	v4 =	vsel vm1, $0xFFFFFFFF, v4;
	v7 =	vsel vm1, $0xFFFFFFFF, v6;
	(pc) =	sbr.rel @p0 .LBB2_3-.Ltmp3, $4  }
0x47: {  	v2 =	vshrl.u32 v4, $0x3;
	v6 =	vshll.u32 v7, $0x3;
	v4 =	vshll.u32 v4, $0x7;
	[tilespmem:s16], [sflag:$0x1] =	stream.indirect_vreg.gather [hbm4b:s3+s10], $0x1, v0, vm0, $0x4038;
	[tilespmem:$0xE000] =	vst v63  }
0x48: {  	v0 =	vor.u32 v3, v5;
	s16 =	smov.u32 s15;
	v8 =	vmul.u32 $0xC400, v2;
	v2 =	vand.u32 $0x380, v4  }
0x49: {  	s17 =	sadd.s32 $0x10, s17;
	v9 =	vand.u32 $0xFFFFFC00, v6  }
0x4a: {  	v3 =	vand.u32 $0x7F, v7;
	v6 =	vshrl.u32 v1, $0xA;
	v5 =	vadd.s32 v8, v9;
	(ifvalue) =	ssetifvalue $0x7FFFFFFF;
	v4 =	vmovc v1;
	v1 =	vld.msk [tilespmem:s17+$0x0 ss:$0x1], $0xffff  }
.Ltmp4:
0x4b: {  	_ = 	snop;
	(pc) =	sbr.rel .LBB2_4-.Ltmp4, $1  }
0x4c: {  	_ =	sdelay $0x3  }
.LBB2_6:
0x4d: {  	_ =	sfence.sel $0x180000  }
0x4e: {  	s2 =	simm.s32 $0x2;
	[bflag:$0x0] =	sbarrier.arrive $0xFFFF  }
0x4f: {  	s30 =	simm.s32 $0x3;
	[sflag:s2] =	ssyncpa.u1 $0x1  }
0x50: {  	s31 =	simm.s32 $0x1;
	[sflag:s30] =	ssyncpa.u1 $0x1  }
0x51: {  	[sflag:s31] =	ssyncpa.u1 $0x1  }
0x52: {  	p0 =	sne.s32 s1, $0x0;
	_ =	strace $0x90000047  }
0x53: {  	s0 =	sadd.s32 @!p0 $0x100000, s0;
	[bflag:$0x2] =	sbarrier.arrive $0xFFFF  }
0x54: {  	[sflag:s0] =	ssyncadd.tile.s32 @!p0 $0x1;
	_ =	shalt  }
.Lfunc_end2:
_tile_overlayer_lowered:
.L_overlay_start_2:
0x55: {  	(tag) =	ssettag $0x2  }
0x56: {  	s0 =	rddreg [dreg:$0x0];
	s2 =	stileid.u32  }
0x57: {  	s1 =	rddreg [dreg:$0x1];
	p0 =	sne.s32 s2, $0x0  }
0x58: {  	s3 =	rddreg [dreg:$0x2];
	[bflag:$0x3] =	sbarrier.arrive $0xFFFF;
	s2 =	simm.s32 @!p0 $0x1C01  }
0x59: {  	[timem:s3], [sflag:s2] =	dma.local @!p0 [hbm:s0], s1  }
0x5a: {  	s0 =	simm.s32 @!p0 $0x1  }
0x5b: {  	_ =	swait.ge @!p0 [sflag:s0], s1  }
0x5c: {  	s1 =	ssub.s32 @!p0 $0x0, s1;
	[sflag:s0] =	ssyncset.done @!p0 $0x0  }
0x5d: {  	[sflag:s0] =	ssyncadd.s32 @!p0 s1  }
0x5e: {  	[bflag:$0x3] =	sbarrier.arrive $0xFFFF  }
0x5f: {  	_ =	shalt  }

// kernel: gather_offload_async_start.2
scs
__scs_entry_jumppad:
0x0: {  	(pc) =	sbr.rel $0x88, $3  }
0x1: {  	(tag) =	ssettag $0x0;
	lr =	simm.s32 $0x1  }
0x2: {  	[smem:$0x3F9E] =	sst lr;
	_ =	strace $0xD0000000  }
0x3: {  	_ = 	snop  }
0x4: {  	_ = 	snop  }
0x5: {  	_ = 	snop  }
0x6: {  	_ = 	snop  }
0x7: {  	_ = 	snop  }
__scs_overlays_trampoline_lowered:
0x8: {  	[smem:$0x3FAD] =	sst s0  }
0x9: {  	[smem:$0x3FAE] =	sst s1  }
0xa: {  	[smem:$0x3FAF] =	sst s2  }
0xb: {  	[smem:$0x3FB0] =	sst s3  }
0xc: {  	[smem:$0x3FB1] =	sst s4  }
0xd: {  	[smem:$0x3FB2] =	sst s5  }
0xe: {  	[smem:$0x3FB3] =	sst s6  }
0xf: {  	[smem:$0x3FB4] =	sst s7  }
0x10: {  	[smem:$0x3FB5] =	sst s8  }
0x11: {  	[smem:$0x3FB6] =	sst s9;
	s0 =	simm.s32 @!p0 $0x0  }
0x12: {  	s1 =	sld [smem:$0x3F9C];
	s0 =	simm.s32 @p0 $0x1  }
0x13: {  	[smem:$0x3FB7] =	sst s0;
	s0 =	simm.s32 @!p1 $0x0  }
0x14: {  	s2 =	sld [smem:$0x3F9B];
	s0 =	simm.s32 @p1 $0x1  }
0x15: {  	[smem:$0x3FB8] =	sst s0;
	s0 =	simm.s32 @!p2 $0x0  }
0x16: {  	s3 =	sld [smem:$0x3FDB];
	s0 =	simm.s32 @p2 $0x1  }
0x17: {  	s4 =	simm.s32 $0x1BF5;
	[smem:$0x3FBA] =	sst s0  }
0x18: {  	s0 =	sld [smem:$0x3F9D];
	_ =	swait.ge [sflag:s4], $0x0  }
0x19: {  	s7 =	sld [smem:$0x3F9E]  }
0x1a: {  	s8 =	sadd.s32 $0xFFFFE003, lr  }
0x1b: {  	s9 =	sadd.s32 $0xFFFFFEF7, lr;
	s5 =	simm.s32 $0xFFFFFFFF;
	p2 =	slt.u32 s8, $0xFFFFF086  }
0x1c: {  	p1 =	slt.u32 s9, $0xF7A;
	s5 =	simm.s32 @!p2 $0x0  }
0x1d: {  	s5 =	simm.s32 @p1 $0x1;
	p0 =	seq.s32 s7, s2  }
0x1e: {  	s7 =	smul.u32 @!p0 $0xF7A, s2;
	p2 =	seq.s32 @!p0 s5, $0x0  }
0x1f: {  	s9 =	smul.u32 $0xF7A, s1;
	s8 =	simm.s32 @!p0 $0x1BF5;
	p2 =	por !p2, p0  }
0x20: {  	[sflag:s8] =	ssyncset.s32 @!p0 $0xFFFFF086;
	s6 =	sadd.s32 @!p0 s3, s7;
	s7 =	simm.s32 @!p0 $0x108  }
0x21: {  	s3 =	sadd.s32 s3, s9;
	s6 =	sadd.s32 @!p0 $0x88, s6;
	s7 =	simm.s32 @p2 $0x1082  }
0x22: {  	[simem:s7], [sflag:s8] =	dma.local @!p0 [hbm:s6], $0xF7A  }
0x23: {  	s9 =	sor.u32 $0xD0000000, s2;
	s6 =	simm.s32 $0x108;
	_ =	swait.ge @!p0 [sflag:s8], $0x0  }
0x24: {  	s3 =	sadd.s32 $0x88, s3;
	s6 =	simm.s32 @!p1 $0x1082;
	[sflag:s4] =	ssyncset.s32 $0xFFFFF086  }
0x25: {  	[simem:s6], [sflag:s4] =	dma.local [hbm:s3], $0xF7A  }
0x26: {  	[smem:$0x3F9E] =	sst s1;
	(tag) =	ssettag s2;
	_ =	strace s9  }
0x27: {  	s1 =	sld [smem:$0x3FAE]  }
0x28: {  	s2 =	sld [smem:$0x3FAF]  }
0x29: {  	s4 =	sld [smem:$0x3FB1]  }
0x2a: {  	p0 =	seq.s32 s5, $0x0;
	s5 =	sld [smem:$0x3FB2]  }
0x2b: {  	s6 =	sld [smem:$0x3FB3]  }
0x2c: {  	s7 =	sld [smem:$0x3FB4]  }
0x2d: {  	s3 =	simm.s32 $0x108;
	s8 =	sld [smem:$0x3FB5]  }
0x2e: {  	s3 =	simm.s32 @!p0 $0x1082;
	s9 =	sld [smem:$0x3FB6]  }
0x2f: {  	lr =	sadd.s32 s0, s3;
	s0 =	sld [smem:$0x3FAD]  }
0x30: {  	s3 =	sld [smem:$0x3FB0]  }
0x31: {  	[smem:$0x3FB9] =	sst s10  }
0x32: {  	s10 =	sld [smem:$0x3FB7];
	_ =	sdelay $0x3  }
0x33: {  	p0 =	seq.s32 s10, $0x1;
	s10 =	sld [smem:$0x3FB9];
	_ =	sdelay $0x3  }
0x34: {  	[smem:$0x3FB9] =	sst s10  }
0x35: {  	s10 =	sld [smem:$0x3FB8];
	_ =	sdelay $0x3  }
0x36: {  	p1 =	seq.s32 s10, $0x1;
	s10 =	sld [smem:$0x3FB9];
	_ =	sdelay $0x3  }
0x37: {  	[smem:$0x3FB9] =	sst s10  }
0x38: {  	s10 =	sld [smem:$0x3FBA]  }
0x39: {  	_ = 	snop;
	(pc) =	sbr.ind lr, $3  }
0x3a: {  	_ = 	snop  }
0x3b: {  	_ = 	snop  }
0x3c: {  	p2 =	seq.s32 s10, $0x1;
	s10 =	sld [smem:$0x3FB9]  }
0x3d: {  	_ =	shalt  }
0x3e: {  	_ =	shalt  }
0x3f: {  	_ =	shalt  }
0x40: {  	_ =	shalt  }
0x41: {  	_ =	shalt  }
0x42: {  	_ =	shalt  }
0x43: {  	_ =	shalt  }
0x44: {  	_ =	shalt  }
0x45: {  	_ =	shalt  }
0x46: {  	_ =	shalt  }
0x47: {  	_ =	shalt  }
0x48: {  	_ =	shalt  }
0x49: {  	_ =	shalt  }
0x4a: {  	_ =	shalt  }
0x4b: {  	_ =	shalt  }
0x4c: {  	_ =	shalt  }
0x4d: {  	_ =	shalt  }
0x4e: {  	_ =	shalt  }
0x4f: {  	_ =	shalt  }
0x50: {  	_ =	shalt  }
0x51: {  	_ =	shalt  }
0x52: {  	_ =	shalt  }
0x53: {  	_ =	shalt  }
0x54: {  	_ =	shalt  }
0x55: {  	_ =	shalt  }
0x56: {  	_ =	shalt  }
0x57: {  	_ =	shalt  }
0x58: {  	_ =	shalt  }
0x59: {  	_ =	shalt  }
0x5a: {  	_ =	shalt  }
0x5b: {  	_ =	shalt  }
0x5c: {  	_ =	shalt  }
0x5d: {  	_ =	shalt  }
0x5e: {  	_ =	shalt  }
0x5f: {  	_ =	shalt  }
0x60: {  	_ =	shalt  }
0x61: {  	_ =	shalt  }
0x62: {  	_ =	shalt  }
0x63: {  	_ =	shalt  }
0x64: {  	_ =	shalt  }
0x65: {  	_ =	shalt  }
0x66: {  	_ =	shalt  }
0x67: {  	_ =	shalt  }
0x68: {  	_ =	shalt  }
0x69: {  	_ =	shalt  }
0x6a: {  	_ =	shalt  }
0x6b: {  	_ =	shalt  }
0x6c: {  	_ =	shalt  }
0x6d: {  	_ =	shalt  }
0x6e: {  	_ =	shalt  }
0x6f: {  	_ =	shalt  }
0x70: {  	_ =	shalt  }
0x71: {  	_ =	shalt  }
0x72: {  	_ =	shalt  }
0x73: {  	_ =	shalt  }
0x74: {  	_ =	shalt  }
0x75: {  	_ =	shalt  }
0x76: {  	_ =	shalt  }
0x77: {  	_ =	shalt  }
0x78: {  	_ =	shalt  }
0x79: {  	_ =	shalt  }
0x7a: {  	_ =	shalt  }
0x7b: {  	_ =	shalt  }
0x7c: {  	_ =	shalt  }
0x7d: {  	_ =	shalt  }
0x7e: {  	_ =	shalt  }
0x7f: {  	_ =	shalt  }
0x80: {  	_ =	shalt  }
0x81: {  	_ =	shalt  }
0x82: {  	_ =	shalt  }
0x83: {  	_ =	shalt  }
0x84: {  	_ =	shalt  }
0x85: {  	_ =	shalt  }
0x86: {  	_ =	shalt  }
0x87: {  	_ =	shalt  }
.Lfunc_end0:
.L_simem_size_0:
called_computation.2_lowered:
.L_overlay_start_0:
0x88: {  	s2 =	sld [smem:$0x3FD9]  }
0x89: {  	s3 =	sld [smem:$0x3FFE];
	_ =	sdelay $0x1  }
0x8a: {  	s1 =	srdreg.scid  }
0x8b: {  	s0 =	sand.u32 $0x1, s1  }
0x8c: {  	s14 =	sshll.u32 s0, $0xA;
	s2 =	sadd.s32 s3, s2  }
0x8d: {  	s2 =	sadd.s32 s2, s14  }
0x8e: {  	[smem:$0x3FC5] =	sst s2  }
0x8f: {  	_ = 	snop  }
0x90: {  	s2 =	sld [smem:$0x3FD0];
	_ =	sdelay $0x2  }
0x91: {  	s15 =	simm.s32 $0xA;
	s4 =	simm.s32 $0x10  }
0x92: {  	[smem:s4], [sflag:s15] =	dma.local [hbm:s2], $0x1  }
0x93: {  	_ =	swait.eq [sflag:s15], $0x1  }
0x94: {  	[sflag:s15] =	ssyncset.done $0x0  }
0x95: {  	s16 =	sld [smem:$0x10];
	[sflag:s15] =	ssyncadd.s32 $0xFFFFFFFF  }
0x96: {  	s17 =	sld [smem:$0x12];
	(tm) =	ssettm $0x1  }
0x97: {  	s18 =	sld [smem:$0x3FFB];
	_ =	sdelay $0x3  }
0x98: {  	_ =	strace s18  }
0x99: {  	s4 =	sld [smem:$0x3FFC];
	_ =	sdelay $0x3  }
0x9a: {  	_ =	strace s4  }
0x9b: {  	s4 =	sld [smem:$0x3FFD];
	_ =	sdelay $0x3  }
0x9c: {  	_ =	strace s4  }
0x9d: {  	_ =	strace $0x8FFFFFFF  }
0x9e: {  	s19 =	sld [smem:$0x3FDB];
	_ =	sdelay $0x1  }
0x9f: {  	s5 =	simm.s32 $_scs_section_size  }
0xa0: {  	s6 =	simm.s32 $_size__tile_overlayer_lowered;
	s7 =	simm.s32 $_tile_overlayer_lowered  }
0xa1: {  	s22 =	simm.s32 $0x1BFF;
	s21 =	sshll.u32 s7, $0x1;
	s4 =	sadd.s32 s5, s19  }
0xa2: {  	s8 =	simm.s32 $0x0;
	s20 =	sshll.u32 s6, $0x1;
	s6 =	sadd.s32 s21, s4  }
0xa3: {  	[timem:s8], [sflag:s22] =	dma.local [hbm:s6], s20  }
0xa4: {  	_ =	swait.ge [sflag:s22], s20  }
0xa5: {  	s5 =	ssub.s32 $0x0, s20;
	[sflag:s22] =	ssyncset.done $0x0  }
0xa6: {  	[sflag:s22] =	ssyncadd.s32 s5;
	_ =	sdelay $0x1  }
0xa7: {  	s23 =	simm.s32 $0x1B8B  }
0xa8: {  	_ =	swait.ge [sflag:s23], $0x1  }
0xa9: {  	[sflag:s23] =	ssyncset.done $0x0  }
0xaa: {  	s25 =	simm.s32 $0x1B8E;
	s24 =	sld [smem:$0x3FFE];
	[sflag:s23] =	ssyncadd.s32 $0xFFFFFFFF  }
0xab: {  	s26 =	simm.s32 $execute0_lowered;
	[smem:$0x3FD2] =	sst s25  }
0xac: {  	s6 =	sshll.u32 s26, $0x1;
	_ =	strace $0x80000049;
	[dreg:$0x1] =	wrdreg $0xFFFFFFFF  }
0xad: {  	s28 =	simm.s32 $_size_execute0_lowered;
	s4 =	sadd.s32 s4, s6;
	[dreg:$0x0] =	wrdreg $0x0  }
0xae: {  	s6 =	sshll.u32 s28, $0x1;
	[dreg:$0x2] =	wrdreg s4  }
0xaf: {  	[dreg:$0x3] =	wrdreg s6  }
0xb0: {  	[dreg:$0x4] =	wrdreg $0xC0  }
0xb1: {  	_ =	task [dreg:s8], $0x5FFFF  }
0xb2: {  	[dreg:$0x1] =	wrdreg $0xFFFFFFFF  }
0xb3: {  	[dreg:$0x0] =	wrdreg $0x60  }
0xb4: {  	[dreg:$0x2] =	wrdreg s17  }
0xb5: {  	[dreg:$0x3] =	wrdreg s16  }
0xb6: {  	[dreg:$0x4] =	wrdreg s24  }
0xb7: {  	[dreg:$0x5] =	wrdreg $0x9  }
0xb8: {  	_ =	task.clear_ibuf [dreg:s8], $0x6FFFF;
	_ =	strace $0x90000049  }
0xb9: {  	s29 =	simm.s32 $0x9;
	_ =	strace $0x8000004B  }
0xba: {  	_ =	swait.ge [sflag:s29], $0x1  }
0xbb: {  	[sflag:s29] =	ssyncadd.s32 $0xFFFFFFFF  }
0xbc: {  	_ =	strace $0x9000004B  }
0xbd: {  	_ =	sfence  }
0xbe: {  	s30 =	sld [smem:$0x0];
	_ =	sdelay $0x2  }
0xbf: {  	s31 =	sshll.u32 s1, $0xD;
	s1 =	sshrl.u32 s1, $0x2  }
0xc0: {  	s3 =	sand.u32 $0x4000, s31;
	s1 =	sadd.s32 s1, s30  }
0xc1: {  	s0 =	sor.u32 s3, s0;
	s1 =	sshll.u32 s1, $0x11  }
0xc2: {  	s0 =	sor.u32 s1, s0  }
0xc3: {  	s0 =	sadd.s32 $0x8F2B, s0  }
0xc4: {  	[sflag:s0] =	ssyncadd.remote.s32 $0x1  }
0xc5: {  	_ =	sfence.sel $0xFFFF  }
0xc6: {  	[dreg:$0x0] =	wrdreg $0xFFFFFFFF;
	(pc) =	sbr.abs _section_cstart, $3  }
0xc7: {  	[dreg:$0x1] =	wrdreg $0xFFFFFFFF  }
0xc8: {  	_ =	task.clear_ibuf [dreg:s8], $0x2FFFF;
	_ =	strace $0x9FFFFFFF  }
0xc9: {  	(tm) =	ssettm $0x7FFFFFFF  }
tec
execute0_lowered:
.L_overlay_start_1:
0x0: {  	(tag) =	ssettag $0x1  }
0x1: {  	s2 =	rddreg [dreg:$0x0]  }
0x2: {  	s1 =	srdreg.scid;
	s3 =	rddreg [dreg:$0x1]  }
0x3: {  	s0 =	stileid.u32;
	s5 =	rddreg [dreg:$0x2]  }
0x4: {  	s9 =	simm.s32 $0x1;
	s10 =	simm.s32 $0x3;
	s1 =	sshll.u32 s1, $0xB  }
0x5: {  	s13 =	simm.s32 $0x0;
	s4 =	sshll.u32 s0, $0xC;
	s6 =	sand.u32 $0x800, s1  }
0x6: {  	s12 =	simm.s32 $0x0;
	s5 =	sadd.s32 $0x400, s5;
	s4 =	sor.u32 s4, s6  }
0x7: {  	s1 =	rddreg [dreg:$0x3];
	_ =	strace $0x8000004A;
	s8 =	ssub.s32 $0x1A000, s4  }
.Ltmp0:
0x8: {  	s6 =	simm.s32 $0x1;
	s7 =	sand.u32 $0xF800, s8;
	(pc) =	sbr.rel .LBB2_1-.Ltmp0, $4  }
0x9: {  	[sflag:s6] =	ssyncpa.u1 $0x0;
	s11 =	smov.u32 s4;
	p0 =	sne.s32 s7, $0x0  }
0xa: {  	s8 =	sshrl.u32 s8, $0x10;
	s7 =	simm.s32 $0x2;
	s9 =	simm.s32 @!p0 $0x0  }
0xb: {  	[sflag:s7] =	ssyncpa.u1 $0x0;
	p0 =	por $0x0, $0x0;
	s8 =	sadd.s32 s9, s8  }
0xc: {  	vm0 =	vmmov $0xffff;
	[sflag:s10] =	ssyncpa.u1 $0x0;
	s10 =	simm.s32 $0x0;
	s9 =	sadd.s32 $0x1, s8  }
.LBB2_4:
0xd: {  	vm1 =	veq.s32 v4, $0x80000000;
	v56 =	vand.u32 $0x3FF, v4;
	v6 =	vand.u32 $0x3FF, v6  }
0xe: {  	v2 =	vor.u32 v2, v5;
	v59 =	vshrl.u32 v1, $0xA;
	v60 =	vand.u32 $0x3FF, v1  }
0xf: {  	v4 =	vsel vm1, $0xFFFFFFFF, v56;
	v6 =	vsel vm1, $0xFFFFFFFF, v6;
	v2 =	vor.u32 v3, v2  }
0x10: {  	vm1 =	veq.s32 v1, $0x80000000;
	v5 =	vand.u32 $0x3FF, v59;
	v7 =	vshrl.u32 v4, $0x3  }
0x11: {  	v57 =	vshll.u32 v6, $0x3;
	v4 =	vshll.u32 v4, $0x7;
	v1 =	vsel vm1, $0xFFFFFFFF, v60  }
0x12: {  	v5 =	vsel vm1, $0xFFFFFFFF, v5;
	v6 =	vand.u32 $0x7F, v6;
	v7 =	vmul.u32 $0x1800, v7  }
0x13: {  	v58 =	vand.u32 $0xFFFFFC00, v57;
	v4 =	vand.u32 $0x380, v4;
	v61 =	vshrl.u32 v1, $0x3  }
0x14: {  	v62 =	vshll.u32 v5, $0x3;
	v3 =	vadd.s32 v7, v58;
	v7 =	vmul.u32 $0x1800, v61  }
0x15: {  	v1 =	vshll.u32 v1, $0x7;
	v3 =	vor.u32 v4, v3;
	v4 =	vand.u32 $0xFFFFFC00, v62  }
0x16: {  	v1 =	vand.u32 $0x380, v1;
	v3 =	vor.u32 v6, v3;
	v4 =	vadd.s32 v7, v4  }
0x17: {  	[tilespmem:s16], [sflag:$0x1] =	stream.indirect_vreg.gather [hbm4b:s2+s10], $0x1, v0, vm0, $0x4038;
	v63 =	vand.u32 $0x7F, v5;
	v1 =	vor.u32 v1, v4;
	[tilespmem:$0x2000] =	vst v63  }
0x18: {  	s15 =	sadd.s32 $0x10, s15;
	(ifvalue) =	ssetifvalue $0x7FFFFFFF;
	v0 =	vor.u32 v63, v1  }
0x19: {  	[tilespmem:s15], [sflag:$0x1] =	stream.indirect_vreg.gather [hbm4b:s2+s10], $0x1, v2, vm0, $0x4038;
	[tilespmem:$0x2000] =	vst v63  }
0x1a: {  	s15 =	sadd.s32 $0x10, s15;
	(ifvalue) =	ssetifvalue $0x7FFFFFFF  }
0x1b: {  	[tilespmem:s15], [sflag:$0x1] =	stream.indirect_vreg.gather [hbm4b:s2+s10], $0x1, v3, vm0, $0x4038;
	[tilespmem:$0x2000] =	vst v63  }
0x1c: {  	s15 =	sadd.s32 $0x10, s15;
	(ifvalue) =	ssetifvalue $0x7FFFFFFF  }
0x1d: {  	[tilespmem:s15], [sflag:$0x1] =	stream.indirect_vreg.gather [hbm4b:s2+s10], $0x1, v0, vm0, $0x4038;
	[tilespmem:$0x2000] =	vst v63  }
0x1e: {  	_ =	swait.ge [sflag:s6], $0x800  }
0x1f: {  	s30 =	sshrl.u32 s13, $0x3;
	[sflag:s6] =	ssyncset.done $0x0  }
0x20: {  	s31 =	sand.u32 $0x7, s13;
	s15 =	sadd.s32 s5, s30;
	[sflag:s6] =	ssyncadd.s32 $0xFFFFF800  }
0x21: {  	[hbm4b:s15+s31] =	stream.linear.scatter [tilespmem:s14], [sflag:$0x3], $0x800, $0x38;
	[tilespmem:$0x2000] =	vst v63  }
.LBB2_5:
0x22: {  	s15 =	sadd.s32 $0x10000, s11  }
0x23: {  	p2 =	sgt.s32 s15, $0x19FFF  }
0x24: {  	s15 =	smov.u32 @p2 s4;
	p2 =	sne.s32 s12, s9  }
.Ltmp1:
0x25: {  	p1 =	slt.u32 s12, $0x2;
	(pc) =	sbr.rel @!p2 .LBB2_6-.Ltmp1, $4  }
0x26: {  	s14 =	simm.s32 @!p1 $0x3  }
0x27: {  	s16 =	sadd.s32 $0x1, s12;
	_ =	swait.ge @!p1 [sflag:s14], $0x800  }
0x28: {  	s13 =	smov.u32 s11;
	p0 =	por !p0, !p0;
	[sflag:s14] =	ssyncset.done @!p1 $0x0  }
0x29: {  	s12 =	smov.u32 s16;
	s11 =	smov.u32 s15;
	[sflag:s14] =	ssyncadd.s32 @!p1 $0xFFFFF800  }
.LBB2_1:
0x2a: {  	p1 =	sge.u32 s12, s8  }
0x2b: {  	s14 =	sxor.u32 @!p1 $0xFFFFFFFF, s12  }
0x2c: {  	s31 =	sadd.s32 $0xFFFFFFFF, s12;
	s15 =	sshrl.u32 @!p1 s11, $0x3;
	s14 =	sshll.u32 @!p1 s14, $0xB  }
0x2d: {  	s16 =	sand.u32 @!p1 $0x7, s11;
	s15 =	sadd.s32 @!p1 s3, s15;
	s14 =	sand.u32 @!p1 $0x800, s14  }
0x2e: {  	[tilespmem:s14], [sflag:$0x2] =	stream.linear.gather @!p1 [hbm4b:s15+s16], $0x800, $0x38;
	[tilespmem:$0x2000] =	vst v63  }
0x2f: {  	p1 =	sge.u32 s31, s8  }
.Ltmp2:
0x30: {  	_ = 	snop;
	(pc) =	sbr.rel @p1 .LBB2_5-.Ltmp2, $1  }
0x31: {  	_ =	sdelay $0x3  }
0x32: {  	s14 =	simm.s32 $0x1  }
0x33: {  	_ =	swait.ge [sflag:s7], $0x800;
	s14 =	simm.s32 @!p0 $0x0  }
0x34: {  	[sflag:s7] =	ssyncset.done $0x0;
	s14 =	sshll.u32 s14, $0xB  }
0x35: {  	[sflag:s7] =	ssyncadd.s32 $0xFFFFF800;
	(ifvalue) =	ssetifvalue $0x7FFFFFFF;
	v0 =	vld.msk [tilespmem:s14+$0x0 ss:$0x1], $0xffff  }
0x36: {  	s15 =	sadd.s32 $0x10, s14  }
0x37: {  	v1 =	vld.msk [tilespmem:s15+$0x0 ss:$0x1], $0xffff;
	_ =	sdelay $0x2  }
0x38: {  	v2 =	vshrl.u32 v0, $0xA  }
0x39: {  	vm1 =	veq.s32 v0, $0x80000000;
	v0 =	vand.u32 $0x3FF, v0;
	v2 =	vand.u32 $0x3FF, v2  }
0x3a: {  	v0 =	vsel vm1, $0xFFFFFFFF, v0;
	v6 =	vshrl.u32 v1, $0xA;
	v2 =	vsel vm1, $0xFFFFFFFF, v2  }
0x3b: {  	v3 =	vshrl.u32 v0, $0x3;
	v0 =	vshll.u32 v0, $0x7;
	vm1 =	veq.s32 v1, $0x80000000  }
0x3c: {  	s15 =	sadd.s32 $0x10, s15;
	v1 =	vand.u32 $0x3FF, v1;
	v4 =	vshll.u32 v2, $0x3;
	v3 =	vmul.u32 $0x1800, v3  }
0x3d: {  	v0 =	vand.u32 $0x380, v0;
	v7 =	vand.u32 $0x7F, v2;
	v5 =	vand.u32 $0xFFFFFC00, v4;
	v4 =	vld.msk [tilespmem:s15+$0x0 ss:$0x1], $0xffff  }
0x3e: {  	v1 =	vsel vm1, $0xFFFFFFFF, v1;
	v2 =	vadd.s32 v3, v5;
	v3 =	vand.u32 $0x3FF, v6  }
0x3f: {  	v3 =	vsel vm1, $0xFFFFFFFF, v3;
	v0 =	vor.u32 v0, v2;
	v2 =	vshrl.u32 v1, $0x3  }
0x40: {  	s16 =	sshll.u32 s12, $0xB;
	s18 =	simm.s32 $0x30;
	v1 =	vshll.u32 v1, $0x7;
	v5 =	vshll.u32 v3, $0x3;
	v8 =	vmul.u32 $0x1800, v2  }
0x41: {  	s31 =	sand.u32 $0x800, s16;
	s17 =	sadd.s32 $0x10, s15;
	s15 =	sor.u32 $0x1000, s14;
	v2 =	vand.u32 $0x380, v1;
	v0 =	vor.u32 v7, v0;
	v5 =	vand.u32 $0xFFFFFC00, v5  }
0x42: {  	s14 =	sor.u32 $0x1000, s31;
	s16 =	smov.u32 s15;
	v1 =	vld.msk [tilespmem:s17+$0x0 ss:$0x1], $0xffff;
	v3 =	vand.u32 $0x7F, v3;
	(ifvalue) =	ssetifvalue $0x7FFFFFFF;
	v6 =	vshrl.u32 v4, $0xA;
	v5 =	vadd.s32 v8, v5  }
.LBB2_3:
0x43: {  	s18 =	sadd.s32 $0x10, s18  }
0x44: {  	vm1 =	veq.s32 v4, $0x80000000;
	v4 =	vand.u32 $0x3FF, v4;
	v6 =	vand.u32 $0x3FF, v6;
	s15 =	sadd.s32 $0x10, s15;
	p1 =	slt.u32 s18, $0x7F0  }
.Ltmp3:
0x45: {  	v5 =	vor.u32 v2, v5;
	v4 =	vsel vm1, $0xFFFFFFFF, v4;
	v7 =	vsel vm1, $0xFFFFFFFF, v6;
	(pc) =	sbr.rel @p1 .LBB2_3-.Ltmp3, $4  }
0x46: {  	v2 =	vshrl.u32 v4, $0x3;
	v6 =	vshll.u32 v7, $0x3;
	v4 =	vshll.u32 v4, $0x7;
	[tilespmem:s16], [sflag:$0x1] =	stream.indirect_vreg.gather [hbm4b:s2+s10], $0x1, v0, vm0, $0x4038;
	[tilespmem:$0x2000] =	vst v63  }
0x47: {  	v0 =	vor.u32 v3, v5;
	s16 =	smov.u32 s15;
	v8 =	vmul.u32 $0x1800, v2;
	v2 =	vand.u32 $0x380, v4  }
0x48: {  	s17 =	sadd.s32 $0x10, s17;
	v9 =	vand.u32 $0xFFFFFC00, v6  }
0x49: {  	v3 =	vand.u32 $0x7F, v7;
	v6 =	vshrl.u32 v1, $0xA;
	v5 =	vadd.s32 v8, v9;
	(ifvalue) =	ssetifvalue $0x7FFFFFFF;
	v4 =	vmovc v1;
	v1 =	vld.msk [tilespmem:s17+$0x0 ss:$0x1], $0xffff  }
.Ltmp4:
0x4a: {  	_ = 	snop;
	(pc) =	sbr.rel .LBB2_4-.Ltmp4, $1  }
0x4b: {  	_ =	sdelay $0x3  }
.LBB2_6:
0x4c: {  	_ =	sfence.sel $0x180000  }
0x4d: {  	s2 =	simm.s32 $0x2;
	[bflag:$0x0] =	sbarrier.arrive $0xFFFF  }
0x4e: {  	s30 =	simm.s32 $0x3;
	[sflag:s2] =	ssyncpa.u1 $0x1  }
0x4f: {  	s31 =	simm.s32 $0x1;
	[sflag:s30] =	ssyncpa.u1 $0x1  }
0x50: {  	[sflag:s31] =	ssyncpa.u1 $0x1  }
0x51: {  	p0 =	sne.s32 s0, $0x0;
	_ =	strace $0x9000004A  }
0x52: {  	s0 =	sadd.s32 @!p0 $0x100000, s1;
	[bflag:$0x2] =	sbarrier.arrive $0xFFFF  }
0x53: {  	[sflag:s0] =	ssyncadd.tile.s32 @!p0 $0x1;
	_ =	shalt  }
.Lfunc_end2:
_tile_overlayer_lowered:
.L_overlay_start_2:
0x54: {  	(tag) =	ssettag $0x2  }
0x55: {  	s0 =	rddreg [dreg:$0x0];
	s2 =	stileid.u32  }
0x56: {  	s1 =	rddreg [dreg:$0x1];
	p0 =	sne.s32 s2, $0x0  }
0x57: {  	s3 =	rddreg [dreg:$0x2];
	[bflag:$0x3] =	sbarrier.arrive $0xFFFF;
	s2 =	simm.s32 @!p0 $0x1C01  }
0x58: {  	[timem:s3], [sflag:s2] =	dma.local @!p0 [hbm:s0], s1  }
0x59: {  	s0 =	simm.s32 @!p0 $0x1  }
0x5a: {  	_ =	swait.ge @!p0 [sflag:s0], s1  }
0x5b: {  	s1 =	ssub.s32 @!p0 $0x0, s1;
	[sflag:s0] =	ssyncset.done @!p0 $0x0  }
0x5c: {  	[sflag:s0] =	ssyncadd.s32 @!p0 s1  }
0x5d: {  	[bflag:$0x3] =	sbarrier.arrive $0xFFFF  }
0x5e: {  	_ =	shalt  }

// kernel: gather_offload_async_start.3
scs
__scs_entry_jumppad:
0x0: {  	(pc) =	sbr.rel $0x88, $3  }
0x1: {  	(tag) =	ssettag $0x0;
	lr =	simm.s32 $0x1  }
0x2: {  	[smem:$0x3F9E] =	sst lr;
	_ =	strace $0xD0000000  }
0x3: {  	_ = 	snop  }
0x4: {  	_ = 	snop  }
0x5: {  	_ = 	snop  }
0x6: {  	_ = 	snop  }
0x7: {  	_ = 	snop  }
__scs_overlays_trampoline_lowered:
0x8: {  	[smem:$0x3FAD] =	sst s0  }
0x9: {  	[smem:$0x3FAE] =	sst s1  }
0xa: {  	[smem:$0x3FAF] =	sst s2  }
0xb: {  	[smem:$0x3FB0] =	sst s3  }
0xc: {  	[smem:$0x3FB1] =	sst s4  }
0xd: {  	[smem:$0x3FB2] =	sst s5  }
0xe: {  	[smem:$0x3FB3] =	sst s6  }
0xf: {  	[smem:$0x3FB4] =	sst s7  }
0x10: {  	[smem:$0x3FB5] =	sst s8  }
0x11: {  	[smem:$0x3FB6] =	sst s9;
	s0 =	simm.s32 @!p0 $0x0  }
0x12: {  	s1 =	sld [smem:$0x3F9C];
	s0 =	simm.s32 @p0 $0x1  }
0x13: {  	[smem:$0x3FB7] =	sst s0;
	s0 =	simm.s32 @!p1 $0x0  }
0x14: {  	s2 =	sld [smem:$0x3F9B];
	s0 =	simm.s32 @p1 $0x1  }
0x15: {  	[smem:$0x3FB8] =	sst s0;
	s0 =	simm.s32 @!p2 $0x0  }
0x16: {  	s3 =	sld [smem:$0x3FDB];
	s0 =	simm.s32 @p2 $0x1  }
0x17: {  	s4 =	simm.s32 $0x1BF5;
	[smem:$0x3FBA] =	sst s0  }
0x18: {  	s0 =	sld [smem:$0x3F9D];
	_ =	swait.ge [sflag:s4], $0x0  }
0x19: {  	s7 =	sld [smem:$0x3F9E]  }
0x1a: {  	s8 =	sadd.s32 $0xFFFFE003, lr  }
0x1b: {  	s9 =	sadd.s32 $0xFFFFFEF7, lr;
	s5 =	simm.s32 $0xFFFFFFFF;
	p2 =	slt.u32 s8, $0xFFFFF086  }
0x1c: {  	p1 =	slt.u32 s9, $0xF7A;
	s5 =	simm.s32 @!p2 $0x0  }
0x1d: {  	s5 =	simm.s32 @p1 $0x1;
	p0 =	seq.s32 s7, s2  }
0x1e: {  	s7 =	smul.u32 @!p0 $0xF7A, s2;
	p2 =	seq.s32 @!p0 s5, $0x0  }
0x1f: {  	s9 =	smul.u32 $0xF7A, s1;
	s8 =	simm.s32 @!p0 $0x1BF5;
	p2 =	por !p2, p0  }
0x20: {  	[sflag:s8] =	ssyncset.s32 @!p0 $0xFFFFF086;
	s6 =	sadd.s32 @!p0 s3, s7;
	s7 =	simm.s32 @!p0 $0x108  }
0x21: {  	s3 =	sadd.s32 s3, s9;
	s6 =	sadd.s32 @!p0 $0x88, s6;
	s7 =	simm.s32 @p2 $0x1082  }
0x22: {  	[simem:s7], [sflag:s8] =	dma.local @!p0 [hbm:s6], $0xF7A  }
0x23: {  	s9 =	sor.u32 $0xD0000000, s2;
	s6 =	simm.s32 $0x108;
	_ =	swait.ge @!p0 [sflag:s8], $0x0  }
0x24: {  	s3 =	sadd.s32 $0x88, s3;
	s6 =	simm.s32 @!p1 $0x1082;
	[sflag:s4] =	ssyncset.s32 $0xFFFFF086  }
0x25: {  	[simem:s6], [sflag:s4] =	dma.local [hbm:s3], $0xF7A  }
0x26: {  	[smem:$0x3F9E] =	sst s1;
	(tag) =	ssettag s2;
	_ =	strace s9  }
0x27: {  	s1 =	sld [smem:$0x3FAE]  }
0x28: {  	s2 =	sld [smem:$0x3FAF]  }
0x29: {  	s4 =	sld [smem:$0x3FB1]  }
0x2a: {  	p0 =	seq.s32 s5, $0x0;
	s5 =	sld [smem:$0x3FB2]  }
0x2b: {  	s6 =	sld [smem:$0x3FB3]  }
0x2c: {  	s7 =	sld [smem:$0x3FB4]  }
0x2d: {  	s3 =	simm.s32 $0x108;
	s8 =	sld [smem:$0x3FB5]  }
0x2e: {  	s3 =	simm.s32 @!p0 $0x1082;
	s9 =	sld [smem:$0x3FB6]  }
0x2f: {  	lr =	sadd.s32 s0, s3;
	s0 =	sld [smem:$0x3FAD]  }
0x30: {  	s3 =	sld [smem:$0x3FB0]  }
0x31: {  	[smem:$0x3FB9] =	sst s10  }
0x32: {  	s10 =	sld [smem:$0x3FB7];
	_ =	sdelay $0x3  }
0x33: {  	p0 =	seq.s32 s10, $0x1;
	s10 =	sld [smem:$0x3FB9];
	_ =	sdelay $0x3  }
0x34: {  	[smem:$0x3FB9] =	sst s10  }
0x35: {  	s10 =	sld [smem:$0x3FB8];
	_ =	sdelay $0x3  }
0x36: {  	p1 =	seq.s32 s10, $0x1;
	s10 =	sld [smem:$0x3FB9];
	_ =	sdelay $0x3  }
0x37: {  	[smem:$0x3FB9] =	sst s10  }
0x38: {  	s10 =	sld [smem:$0x3FBA]  }
0x39: {  	_ = 	snop;
	(pc) =	sbr.ind lr, $3  }
0x3a: {  	_ = 	snop  }
0x3b: {  	_ = 	snop  }
0x3c: {  	p2 =	seq.s32 s10, $0x1;
	s10 =	sld [smem:$0x3FB9]  }
0x3d: {  	_ =	shalt  }
0x3e: {  	_ =	shalt  }
0x3f: {  	_ =	shalt  }
0x40: {  	_ =	shalt  }
0x41: {  	_ =	shalt  }
0x42: {  	_ =	shalt  }
0x43: {  	_ =	shalt  }
0x44: {  	_ =	shalt  }
0x45: {  	_ =	shalt  }
0x46: {  	_ =	shalt  }
0x47: {  	_ =	shalt  }
0x48: {  	_ =	shalt  }
0x49: {  	_ =	shalt  }
0x4a: {  	_ =	shalt  }
0x4b: {  	_ =	shalt  }
0x4c: {  	_ =	shalt  }
0x4d: {  	_ =	shalt  }
0x4e: {  	_ =	shalt  }
0x4f: {  	_ =	shalt  }
0x50: {  	_ =	shalt  }
0x51: {  	_ =	shalt  }
0x52: {  	_ =	shalt  }
0x53: {  	_ =	shalt  }
0x54: {  	_ =	shalt  }
0x55: {  	_ =	shalt  }
0x56: {  	_ =	shalt  }
0x57: {  	_ =	shalt  }
0x58: {  	_ =	shalt  }
0x59: {  	_ =	shalt  }
0x5a: {  	_ =	shalt  }
0x5b: {  	_ =	shalt  }
0x5c: {  	_ =	shalt  }
0x5d: {  	_ =	shalt  }
0x5e: {  	_ =	shalt  }
0x5f: {  	_ =	shalt  }
0x60: {  	_ =	shalt  }
0x61: {  	_ =	shalt  }
0x62: {  	_ =	shalt  }
0x63: {  	_ =	shalt  }
0x64: {  	_ =	shalt  }
0x65: {  	_ =	shalt  }
0x66: {  	_ =	shalt  }
0x67: {  	_ =	shalt  }
0x68: {  	_ =	shalt  }
0x69: {  	_ =	shalt  }
0x6a: {  	_ =	shalt  }
0x6b: {  	_ =	shalt  }
0x6c: {  	_ =	shalt  }
0x6d: {  	_ =	shalt  }
0x6e: {  	_ =	shalt  }
0x6f: {  	_ =	shalt  }
0x70: {  	_ =	shalt  }
0x71: {  	_ =	shalt  }
0x72: {  	_ =	shalt  }
0x73: {  	_ =	shalt  }
0x74: {  	_ =	shalt  }
0x75: {  	_ =	shalt  }
0x76: {  	_ =	shalt  }
0x77: {  	_ =	shalt  }
0x78: {  	_ =	shalt  }
0x79: {  	_ =	shalt  }
0x7a: {  	_ =	shalt  }
0x7b: {  	_ =	shalt  }
0x7c: {  	_ =	shalt  }
0x7d: {  	_ =	shalt  }
0x7e: {  	_ =	shalt  }
0x7f: {  	_ =	shalt  }
0x80: {  	_ =	shalt  }
0x81: {  	_ =	shalt  }
0x82: {  	_ =	shalt  }
0x83: {  	_ =	shalt  }
0x84: {  	_ =	shalt  }
0x85: {  	_ =	shalt  }
0x86: {  	_ =	shalt  }
0x87: {  	_ =	shalt  }
.Lfunc_end0:
.L_simem_size_0:
called_computation.3_lowered:
.L_overlay_start_0:
0x88: {  	s2 =	sld [smem:$0x3FD9]  }
0x89: {  	s3 =	sld [smem:$0x3FFE];
	_ =	sdelay $0x1  }
0x8a: {  	s1 =	srdreg.scid  }
0x8b: {  	s0 =	sand.u32 $0x1, s1  }
0x8c: {  	s16 =	sshll.u32 s0, $0xA;
	s2 =	sadd.s32 s3, s2  }
0x8d: {  	s2 =	sadd.s32 s2, s16  }
0x8e: {  	[smem:$0x3FC5] =	sst s2  }
0x8f: {  	_ = 	snop  }
0x90: {  	(tm) =	ssettm $0x1  }
0x91: {  	s17 =	sld [smem:$0x3FFB];
	_ =	sdelay $0x3  }
0x92: {  	_ =	strace s17  }
0x93: {  	s2 =	sld [smem:$0x3FFC];
	_ =	sdelay $0x3  }
0x94: {  	_ =	strace s2  }
0x95: {  	s2 =	sld [smem:$0x3FFD];
	_ =	sdelay $0x3  }
0x96: {  	_ =	strace s2  }
0x97: {  	_ =	strace $0x8FFFFFFF  }
0x98: {  	s18 =	sld [smem:$0x3FDB];
	_ =	sdelay $0x1  }
0x99: {  	s19 =	simm.s32 $_scs_section_size  }
0x9a: {  	s4 =	simm.s32 $_size__tile_overlayer_lowered;
	s5 =	simm.s32 $_tile_overlayer_lowered  }
0x9b: {  	s22 =	simm.s32 $0x1BFF;
	s21 =	sshll.u32 s5, $0x1;
	s2 =	sadd.s32 s19, s18  }
0x9c: {  	s6 =	simm.s32 $0x0;
	s20 =	sshll.u32 s4, $0x1;
	s4 =	sadd.s32 s21, s2  }
0x9d: {  	[timem:s6], [sflag:s22] =	dma.local [hbm:s4], s20  }
0x9e: {  	_ =	swait.ge [sflag:s22], s20  }
0x9f: {  	s3 =	ssub.s32 $0x0, s20;
	[sflag:s22] =	ssyncset.done $0x0  }
0xa0: {  	[sflag:s22] =	ssyncadd.s32 s3;
	_ =	sdelay $0x1  }
0xa1: {  	s23 =	simm.s32 $0x1B8B  }
0xa2: {  	_ =	swait.ge [sflag:s23], $0x1  }
0xa3: {  	[sflag:s23] =	ssyncset.done $0x0  }
0xa4: {  	s25 =	simm.s32 $0x1B8E;
	s24 =	sld [smem:$0x3FFE];
	[sflag:s23] =	ssyncadd.s32 $0xFFFFFFFF  }
0xa5: {  	s26 =	simm.s32 $execute0_lowered;
	[smem:$0x3FD2] =	sst s25  }
0xa6: {  	s4 =	sshll.u32 s26, $0x1;
	_ =	strace $0x8000004C;
	[dreg:$0x1] =	wrdreg $0xFFFFFFFF  }
0xa7: {  	s28 =	simm.s32 $_size_execute0_lowered;
	s2 =	sadd.s32 s2, s4;
	[dreg:$0x0] =	wrdreg $0x0  }
0xa8: {  	s4 =	sshll.u32 s28, $0x1;
	[dreg:$0x2] =	wrdreg s2  }
0xa9: {  	[dreg:$0x3] =	wrdreg s4  }
0xaa: {  	[dreg:$0x4] =	wrdreg $0xC0  }
0xab: {  	_ =	task [dreg:s6], $0x5FFFF  }
0xac: {  	[dreg:$0x1] =	wrdreg $0xFFFFFFFF  }
0xad: {  	[dreg:$0x0] =	wrdreg $0x60  }
0xae: {  	[dreg:$0x2] =	wrdreg s24  }
0xaf: {  	[dreg:$0x3] =	wrdreg $0x9  }
0xb0: {  	_ =	task.clear_ibuf [dreg:s6], $0x4FFFF;
	_ =	strace $0x9000004C  }
0xb1: {  	s29 =	simm.s32 $0x9;
	_ =	strace $0x8000004E  }
0xb2: {  	_ =	swait.ge [sflag:s29], $0x1  }
0xb3: {  	[sflag:s29] =	ssyncadd.s32 $0xFFFFFFFF  }
0xb4: {  	_ =	strace $0x9000004E  }
0xb5: {  	_ =	sfence  }
0xb6: {  	s30 =	sld [smem:$0x0];
	_ =	sdelay $0x2  }
0xb7: {  	s31 =	sshll.u32 s1, $0xD;
	s1 =	sshrl.u32 s1, $0x2  }
0xb8: {  	s3 =	sand.u32 $0x4000, s31;
	s1 =	sadd.s32 s1, s30  }
0xb9: {  	s0 =	sor.u32 s3, s0;
	s1 =	sshll.u32 s1, $0x11  }
0xba: {  	s0 =	sor.u32 s1, s0  }
0xbb: {  	s0 =	sadd.s32 $0x8F2B, s0  }
0xbc: {  	[sflag:s0] =	ssyncadd.remote.s32 $0x1  }
0xbd: {  	_ =	sfence.sel $0xFFFF  }
0xbe: {  	[dreg:$0x0] =	wrdreg $0xFFFFFFFF;
	(pc) =	sbr.abs _section_cstart, $3  }
0xbf: {  	[dreg:$0x1] =	wrdreg $0xFFFFFFFF  }
0xc0: {  	_ =	task.clear_ibuf [dreg:s6], $0x2FFFF;
	_ =	strace $0x9FFFFFFF  }
0xc1: {  	(tm) =	ssettm $0x7FFFFFFF  }
tec
execute0_lowered:
.L_overlay_start_1:
0x0: {  	(tag) =	ssettag $0x1  }
0x1: {  	s0 =	srdreg.scid;
	s5 =	rddreg [dreg:$0x0]  }
0x2: {  	s1 =	stileid.u32;
	s6 =	simm.s32 $0x1;
	s9 =	simm.s32 $0x1  }
0x3: {  	s10 =	simm.s32 $0x3;
	s13 =	simm.s32 $0x0;
	s2 =	sshll.u32 s0, $0xF  }
0x4: {  	s12 =	simm.s32 $0x0;
	s3 =	sshll.u32 s1, $0x10;
	s2 =	sand.u32 $0x8000, s2  }
0x5: {  	s0 =	rddreg [dreg:$0x1];
	_ =	strace $0x8000004D;
	s2 =	sor.u32 s3, s2  }
0x6: {  	s4 =	sadd.s32 $0x1A200, s5;
	[sflag:s6] =	ssyncpa.u1 $0x0;
	s8 =	ssub.s32 $0x1A0000, s2  }
.Ltmp0:
0x7: {  	s3 =	sadd.s32 $0x188000, s5;
	s7 =	sand.u32 $0xF8000, s8;
	(pc) =	sbr.rel .LBB2_1-.Ltmp0, $4  }
0x8: {  	s5 =	sadd.s32 $0x82200, s5;
	s11 =	smov.u32 s2;
	p0 =	sne.s32 s7, $0x0  }
0x9: {  	s8 =	sshrl.u32 s8, $0x14;
	s7 =	simm.s32 $0x2;
	s9 =	simm.s32 @!p0 $0x0  }
0xa: {  	[sflag:s7] =	ssyncpa.u1 $0x0;
	p0 =	por $0x0, $0x0;
	s8 =	sadd.s32 s9, s8  }
0xb: {  	vm0 =	vmmov $0xffff;
	[sflag:s10] =	ssyncpa.u1 $0x0;
	s10 =	simm.s32 $0x0;
	s9 =	sadd.s32 $0x1, s8  }
.LBB2_4:
0xc: {  	vm1 =	veq.s32 v4, $0x80000000;
	v55 =	vand.u32 $0x3FF, v4;
	v6 =	vand.u32 $0x1FFFF, v6  }
0xd: {  	v2 =	vor.u32 v2, v5;
	v58 =	vshrl.u32 v1, $0xA;
	v59 =	vand.u32 $0x3FF, v1  }
0xe: {  	v4 =	vsel vm1, $0xFFFFFFFF, v55;
	v6 =	vsel vm1, $0xFFFFFFFF, v6;
	v2 =	vor.u32 v3, v2  }
0xf: {  	vm1 =	veq.s32 v1, $0x80000000;
	v5 =	vand.u32 $0x1FFFF, v58;
	v7 =	vshrl.u32 v4, $0x3  }
0x10: {  	v56 =	vshll.u32 v6, $0x3;
	v4 =	vshll.u32 v4, $0x7;
	v1 =	vsel vm1, $0xFFFFFFFF, v59  }
0x11: {  	v5 =	vsel vm1, $0xFFFFFFFF, v5;
	v6 =	vand.u32 $0x7F, v6;
	v7 =	vmul.u32 $0xC4000, v7  }
0x12: {  	v57 =	vand.u32 $0xFFFFFC00, v56;
	v4 =	vand.u32 $0x380, v4;
	v60 =	vshrl.u32 v1, $0x3  }
0x13: {  	v61 =	vshll.u32 v5, $0x3;
	v3 =	vadd.s32 v7, v57;
	v7 =	vmul.u32 $0xC4000, v60  }
0x14: {  	v1 =	vshll.u32 v1, $0x7;
	v3 =	vor.u32 v4, v3;
	v4 =	vand.u32 $0xFFFFFC00, v61  }
0x15: {  	v1 =	vand.u32 $0x380, v1;
	v3 =	vor.u32 v6, v3;
	v4 =	vadd.s32 v7, v4  }
0x16: {  	[tilespmem:s16], [sflag:$0x1] =	stream.indirect_vreg.gather [hbm4b:s3+s10], $0x1, v0, vm0, $0x4038;
	v62 =	vand.u32 $0x7F, v5;
	v1 =	vor.u32 v1, v4;
	v63 =	vld [tilespmem:$0x0]  }
0x17: {  	s15 =	sadd.s32 $0x10, s15;
	(ifvalue) =	ssetifvalue $0x7FFFFFFF;
	v0 =	vor.u32 v62, v1  }
0x18: {  	[tilespmem:s15], [sflag:$0x1] =	stream.indirect_vreg.gather [hbm4b:s3+s10], $0x1, v2, vm0, $0x4038;
	v63 =	vld [tilespmem:$0x0]  }
0x19: {  	s15 =	sadd.s32 $0x10, s15;
	(ifvalue) =	ssetifvalue $0x7FFFFFFF  }
0x1a: {  	[tilespmem:s15], [sflag:$0x1] =	stream.indirect_vreg.gather [hbm4b:s3+s10], $0x1, v3, vm0, $0x4038;
	v63 =	vld [tilespmem:$0x0]  }
0x1b: {  	s15 =	sadd.s32 $0x10, s15;
	(ifvalue) =	ssetifvalue $0x7FFFFFFF  }
0x1c: {  	[tilespmem:s15], [sflag:$0x1] =	stream.indirect_vreg.gather [hbm4b:s3+s10], $0x1, v0, vm0, $0x4038;
	v63 =	vld [tilespmem:$0x0]  }
0x1d: {  	_ =	swait.ge [sflag:s6], $0x8000  }
0x1e: {  	s30 =	sshrl.u32 s13, $0x3;
	[sflag:s6] =	ssyncset.done $0x0  }
0x1f: {  	s31 =	sand.u32 $0x7, s13;
	s15 =	sadd.s32 s5, s30;
	[sflag:s6] =	ssyncadd.s32 $0xFFFF8000  }
0x20: {  	[hbm4b:s15+s31] =	stream.linear.scatter [tilespmem:s14], [sflag:$0x3], $0x8000, $0x38;
	v63 =	vld [tilespmem:$0x0]  }
.LBB2_5:
0x21: {  	s15 =	sadd.s32 $0x100000, s11  }
0x22: {  	p2 =	sgt.s32 s15, $0x19FFFF  }
0x23: {  	s15 =	smov.u32 @p2 s2;
	p2 =	sne.s32 s12, s9  }
.Ltmp1:
0x24: {  	p1 =	slt.u32 s12, $0x2;
	(pc) =	sbr.rel @!p2 .LBB2_6-.Ltmp1, $4  }
0x25: {  	s14 =	simm.s32 @!p1 $0x3  }
0x26: {  	s16 =	sadd.s32 $0x1, s12;
	_ =	swait.ge @!p1 [sflag:s14], $0x8000  }
0x27: {  	s13 =	smov.u32 s11;
	p0 =	por !p0, !p0;
	[sflag:s14] =	ssyncset.done @!p1 $0x0  }
0x28: {  	s12 =	smov.u32 s16;
	s11 =	smov.u32 s15;
	[sflag:s14] =	ssyncadd.s32 @!p1 $0xFFFF8000  }
.LBB2_1:
0x29: {  	p1 =	sge.u32 s12, s8  }
0x2a: {  	s14 =	sxor.u32 @!p1 $0xFFFFFFFF, s12  }
0x2b: {  	s31 =	sadd.s32 $0xFFFFFFFF, s12;
	s15 =	sshrl.u32 @!p1 s11, $0x3;
	s14 =	sshll.u32 @!p1 s14, $0xF  }
0x2c: {  	s16 =	sand.u32 @!p1 $0x7, s11;
	s15 =	sadd.s32 @!p1 s4, s15;
	s14 =	sand.u32 @!p1 $0x8000, s14  }
0x2d: {  	[tilespmem:s14], [sflag:$0x2] =	stream.linear.gather @!p1 [hbm4b:s15+s16], $0x8000, $0x38;
	v63 =	vld [tilespmem:$0x0]  }
0x2e: {  	p1 =	sge.u32 s31, s8  }
.Ltmp2:
0x2f: {  	_ = 	snop;
	(pc) =	sbr.rel @p1 .LBB2_5-.Ltmp2, $1  }
0x30: {  	_ =	sdelay $0x3  }
0x31: {  	s14 =	simm.s32 $0x1  }
0x32: {  	_ =	swait.ge [sflag:s7], $0x8000;
	s14 =	simm.s32 @!p0 $0x0  }
0x33: {  	[sflag:s7] =	ssyncset.done $0x0;
	s14 =	sshll.u32 s14, $0xF  }
0x34: {  	[sflag:s7] =	ssyncadd.s32 $0xFFFF8000;
	(ifvalue) =	ssetifvalue $0x7FFFFFFF;
	v0 =	vld.msk [tilespmem:s14+$0x0 ss:$0x1], $0xffff  }
0x35: {  	s15 =	sadd.s32 $0x10, s14  }
0x36: {  	v1 =	vld.msk [tilespmem:s15+$0x0 ss:$0x1], $0xffff;
	_ =	sdelay $0x2  }
0x37: {  	v2 =	vshrl.u32 v0, $0xA  }
0x38: {  	vm1 =	veq.s32 v0, $0x80000000;
	v0 =	vand.u32 $0x3FF, v0;
	v2 =	vand.u32 $0x1FFFF, v2  }
0x39: {  	v0 =	vsel vm1, $0xFFFFFFFF, v0;
	v6 =	vshrl.u32 v1, $0xA;
	v2 =	vsel vm1, $0xFFFFFFFF, v2  }
0x3a: {  	v3 =	vshrl.u32 v0, $0x3;
	v0 =	vshll.u32 v0, $0x7;
	vm1 =	veq.s32 v1, $0x80000000  }
0x3b: {  	s15 =	sadd.s32 $0x10, s15;
	v1 =	vand.u32 $0x3FF, v1;
	v4 =	vshll.u32 v2, $0x3;
	v3 =	vmul.u32 $0xC4000, v3  }
0x3c: {  	v0 =	vand.u32 $0x380, v0;
	v7 =	vand.u32 $0x7F, v2;
	v5 =	vand.u32 $0xFFFFFC00, v4;
	v4 =	vld.msk [tilespmem:s15+$0x0 ss:$0x1], $0xffff  }
0x3d: {  	v1 =	vsel vm1, $0xFFFFFFFF, v1;
	v2 =	vadd.s32 v3, v5;
	v3 =	vand.u32 $0x1FFFF, v6  }
0x3e: {  	v3 =	vsel vm1, $0xFFFFFFFF, v3;
	v0 =	vor.u32 v0, v2;
	v2 =	vshrl.u32 v1, $0x3  }
0x3f: {  	s16 =	sshll.u32 s12, $0xF;
	s18 =	simm.s32 $0x30;
	v1 =	vshll.u32 v1, $0x7;
	v5 =	vshll.u32 v3, $0x3;
	v8 =	vmul.u32 $0xC4000, v2  }
0x40: {  	s31 =	sand.u32 $0x8000, s16;
	s17 =	sadd.s32 $0x10, s15;
	s15 =	sor.u32 $0x10000, s14;
	v2 =	vand.u32 $0x380, v1;
	v0 =	vor.u32 v7, v0;
	v5 =	vand.u32 $0xFFFFFC00, v5  }
0x41: {  	s14 =	sor.u32 $0x10000, s31;
	s16 =	smov.u32 s15;
	v1 =	vld.msk [tilespmem:s17+$0x0 ss:$0x1], $0xffff;
	v3 =	vand.u32 $0x7F, v3;
	(ifvalue) =	ssetifvalue $0x7FFFFFFF;
	v6 =	vshrl.u32 v4, $0xA;
	v5 =	vadd.s32 v8, v5  }
.LBB2_3:
0x42: {  	s18 =	sadd.s32 $0x10, s18  }
0x43: {  	vm1 =	veq.s32 v4, $0x80000000;
	v4 =	vand.u32 $0x3FF, v4;
	v6 =	vand.u32 $0x1FFFF, v6;
	s15 =	sadd.s32 $0x10, s15;
	p1 =	slt.u32 s18, $0x7FF0  }
.Ltmp3:
0x44: {  	v5 =	vor.u32 v2, v5;
	v4 =	vsel vm1, $0xFFFFFFFF, v4;
	v7 =	vsel vm1, $0xFFFFFFFF, v6;
	(pc) =	sbr.rel @p1 .LBB2_3-.Ltmp3, $4  }
0x45: {  	v2 =	vshrl.u32 v4, $0x3;
	v6 =	vshll.u32 v7, $0x3;
	v4 =	vshll.u32 v4, $0x7;
	[tilespmem:s16], [sflag:$0x1] =	stream.indirect_vreg.gather [hbm4b:s3+s10], $0x1, v0, vm0, $0x4038;
	v63 =	vld [tilespmem:$0x0]  }
0x46: {  	v0 =	vor.u32 v3, v5;
	s16 =	smov.u32 s15;
	v8 =	vmul.u32 $0xC4000, v2;
	v2 =	vand.u32 $0x380, v4  }
0x47: {  	s17 =	sadd.s32 $0x10, s17;
	v9 =	vand.u32 $0xFFFFFC00, v6  }
0x48: {  	v3 =	vand.u32 $0x7F, v7;
	v6 =	vshrl.u32 v1, $0xA;
	v5 =	vadd.s32 v8, v9;
	(ifvalue) =	ssetifvalue $0x7FFFFFFF;
	v4 =	vmovc v1;
	v1 =	vld.msk [tilespmem:s17+$0x0 ss:$0x1], $0xffff  }
.Ltmp4:
0x49: {  	_ = 	snop;
	(pc) =	sbr.rel .LBB2_4-.Ltmp4, $1  }
0x4a: {  	_ =	sdelay $0x3  }
.LBB2_6:
0x4b: {  	_ =	sfence.sel $0x180000  }
0x4c: {  	s2 =	simm.s32 $0x2;
	[bflag:$0x0] =	sbarrier.arrive $0xFFFF  }
0x4d: {  	s30 =	simm.s32 $0x3;
	[sflag:s2] =	ssyncpa.u1 $0x1  }
0x4e: {  	s31 =	simm.s32 $0x1;
	[sflag:s30] =	ssyncpa.u1 $0x1  }
0x4f: {  	[sflag:s31] =	ssyncpa.u1 $0x1  }
0x50: {  	p0 =	sne.s32 s1, $0x0;
	_ =	strace $0x9000004D  }
0x51: {  	s0 =	sadd.s32 @!p0 $0x100000, s0;
	[bflag:$0x2] =	sbarrier.arrive $0xFFFF  }
0x52: {  	[sflag:s0] =	ssyncadd.tile.s32 @!p0 $0x1;
	_ =	shalt  }
.Lfunc_end2:
_tile_overlayer_lowered:
.L_overlay_start_2:
0x53: {  	(tag) =	ssettag $0x2  }
0x54: {  	s0 =	rddreg [dreg:$0x0];
	s2 =	stileid.u32  }
0x55: {  	s1 =	rddreg [dreg:$0x1];
	p0 =	sne.s32 s2, $0x0  }
0x56: {  	s3 =	rddreg [dreg:$0x2];
	[bflag:$0x3] =	sbarrier.arrive $0xFFFF;
	s2 =	simm.s32 @!p0 $0x1C01  }
0x57: {  	[timem:s3], [sflag:s2] =	dma.local @!p0 [hbm:s0], s1  }
0x58: {  	s0 =	simm.s32 @!p0 $0x1  }
0x59: {  	_ =	swait.ge @!p0 [sflag:s0], s1  }
0x5a: {  	s1 =	ssub.s32 @!p0 $0x0, s1;
	[sflag:s0] =	ssyncset.done @!p0 $0x0  }
0x5b: {  	[sflag:s0] =	ssyncadd.s32 @!p0 s1  }
0x5c: {  	[bflag:$0x3] =	sbarrier.arrive $0xFFFF  }
0x5d: {  	_ =	shalt  }

// kernel: gather_offload_async_start.4
scs
__scs_entry_jumppad:
0x0: {  	(pc) =	sbr.rel $0x88, $3  }
0x1: {  	(tag) =	ssettag $0x0;
	lr =	simm.s32 $0x1  }
0x2: {  	[smem:$0x3F9E] =	sst lr;
	_ =	strace $0xD0000000  }
0x3: {  	_ = 	snop  }
0x4: {  	_ = 	snop  }
0x5: {  	_ = 	snop  }
0x6: {  	_ = 	snop  }
0x7: {  	_ = 	snop  }
__scs_overlays_trampoline_lowered:
0x8: {  	[smem:$0x3FAD] =	sst s0  }
0x9: {  	[smem:$0x3FAE] =	sst s1  }
0xa: {  	[smem:$0x3FAF] =	sst s2  }
0xb: {  	[smem:$0x3FB0] =	sst s3  }
0xc: {  	[smem:$0x3FB1] =	sst s4  }
0xd: {  	[smem:$0x3FB2] =	sst s5  }
0xe: {  	[smem:$0x3FB3] =	sst s6  }
0xf: {  	[smem:$0x3FB4] =	sst s7  }
0x10: {  	[smem:$0x3FB5] =	sst s8  }
0x11: {  	[smem:$0x3FB6] =	sst s9;
	s0 =	simm.s32 @!p0 $0x0  }
0x12: {  	s1 =	sld [smem:$0x3F9C];
	s0 =	simm.s32 @p0 $0x1  }
0x13: {  	[smem:$0x3FB7] =	sst s0;
	s0 =	simm.s32 @!p1 $0x0  }
0x14: {  	s2 =	sld [smem:$0x3F9B];
	s0 =	simm.s32 @p1 $0x1  }
0x15: {  	[smem:$0x3FB8] =	sst s0;
	s0 =	simm.s32 @!p2 $0x0  }
0x16: {  	s3 =	sld [smem:$0x3FDB];
	s0 =	simm.s32 @p2 $0x1  }
0x17: {  	s4 =	simm.s32 $0x1BF5;
	[smem:$0x3FBA] =	sst s0  }
0x18: {  	s0 =	sld [smem:$0x3F9D];
	_ =	swait.ge [sflag:s4], $0x0  }
0x19: {  	s7 =	sld [smem:$0x3F9E]  }
0x1a: {  	s8 =	sadd.s32 $0xFFFFE003, lr  }
0x1b: {  	s9 =	sadd.s32 $0xFFFFFEF7, lr;
	s5 =	simm.s32 $0xFFFFFFFF;
	p2 =	slt.u32 s8, $0xFFFFF086  }
0x1c: {  	p1 =	slt.u32 s9, $0xF7A;
	s5 =	simm.s32 @!p2 $0x0  }
0x1d: {  	s5 =	simm.s32 @p1 $0x1;
	p0 =	seq.s32 s7, s2  }
0x1e: {  	s7 =	smul.u32 @!p0 $0xF7A, s2;
	p2 =	seq.s32 @!p0 s5, $0x0  }
0x1f: {  	s9 =	smul.u32 $0xF7A, s1;
	s8 =	simm.s32 @!p0 $0x1BF5;
	p2 =	por !p2, p0  }
0x20: {  	[sflag:s8] =	ssyncset.s32 @!p0 $0xFFFFF086;
	s6 =	sadd.s32 @!p0 s3, s7;
	s7 =	simm.s32 @!p0 $0x108  }
0x21: {  	s3 =	sadd.s32 s3, s9;
	s6 =	sadd.s32 @!p0 $0x88, s6;
	s7 =	simm.s32 @p2 $0x1082  }
0x22: {  	[simem:s7], [sflag:s8] =	dma.local @!p0 [hbm:s6], $0xF7A  }
0x23: {  	s9 =	sor.u32 $0xD0000000, s2;
	s6 =	simm.s32 $0x108;
	_ =	swait.ge @!p0 [sflag:s8], $0x0  }
0x24: {  	s3 =	sadd.s32 $0x88, s3;
	s6 =	simm.s32 @!p1 $0x1082;
	[sflag:s4] =	ssyncset.s32 $0xFFFFF086  }
0x25: {  	[simem:s6], [sflag:s4] =	dma.local [hbm:s3], $0xF7A  }
0x26: {  	[smem:$0x3F9E] =	sst s1;
	(tag) =	ssettag s2;
	_ =	strace s9  }
0x27: {  	s1 =	sld [smem:$0x3FAE]  }
0x28: {  	s2 =	sld [smem:$0x3FAF]  }
0x29: {  	s4 =	sld [smem:$0x3FB1]  }
0x2a: {  	p0 =	seq.s32 s5, $0x0;
	s5 =	sld [smem:$0x3FB2]  }
0x2b: {  	s6 =	sld [smem:$0x3FB3]  }
0x2c: {  	s7 =	sld [smem:$0x3FB4]  }
0x2d: {  	s3 =	simm.s32 $0x108;
	s8 =	sld [smem:$0x3FB5]  }
0x2e: {  	s3 =	simm.s32 @!p0 $0x1082;
	s9 =	sld [smem:$0x3FB6]  }
0x2f: {  	lr =	sadd.s32 s0, s3;
	s0 =	sld [smem:$0x3FAD]  }
0x30: {  	s3 =	sld [smem:$0x3FB0]  }
0x31: {  	[smem:$0x3FB9] =	sst s10  }
0x32: {  	s10 =	sld [smem:$0x3FB7];
	_ =	sdelay $0x3  }
0x33: {  	p0 =	seq.s32 s10, $0x1;
	s10 =	sld [smem:$0x3FB9];
	_ =	sdelay $0x3  }
0x34: {  	[smem:$0x3FB9] =	sst s10  }
0x35: {  	s10 =	sld [smem:$0x3FB8];
	_ =	sdelay $0x3  }
0x36: {  	p1 =	seq.s32 s10, $0x1;
	s10 =	sld [smem:$0x3FB9];
	_ =	sdelay $0x3  }
0x37: {  	[smem:$0x3FB9] =	sst s10  }
0x38: {  	s10 =	sld [smem:$0x3FBA]  }
0x39: {  	_ = 	snop;
	(pc) =	sbr.ind lr, $3  }
0x3a: {  	_ = 	snop  }
0x3b: {  	_ = 	snop  }
0x3c: {  	p2 =	seq.s32 s10, $0x1;
	s10 =	sld [smem:$0x3FB9]  }
0x3d: {  	_ =	shalt  }
0x3e: {  	_ =	shalt  }
0x3f: {  	_ =	shalt  }
0x40: {  	_ =	shalt  }
0x41: {  	_ =	shalt  }
0x42: {  	_ =	shalt  }
0x43: {  	_ =	shalt  }
0x44: {  	_ =	shalt  }
0x45: {  	_ =	shalt  }
0x46: {  	_ =	shalt  }
0x47: {  	_ =	shalt  }
0x48: {  	_ =	shalt  }
0x49: {  	_ =	shalt  }
0x4a: {  	_ =	shalt  }
0x4b: {  	_ =	shalt  }
0x4c: {  	_ =	shalt  }
0x4d: {  	_ =	shalt  }
0x4e: {  	_ =	shalt  }
0x4f: {  	_ =	shalt  }
0x50: {  	_ =	shalt  }
0x51: {  	_ =	shalt  }
0x52: {  	_ =	shalt  }
0x53: {  	_ =	shalt  }
0x54: {  	_ =	shalt  }
0x55: {  	_ =	shalt  }
0x56: {  	_ =	shalt  }
0x57: {  	_ =	shalt  }
0x58: {  	_ =	shalt  }
0x59: {  	_ =	shalt  }
0x5a: {  	_ =	shalt  }
0x5b: {  	_ =	shalt  }
0x5c: {  	_ =	shalt  }
0x5d: {  	_ =	shalt  }
0x5e: {  	_ =	shalt  }
0x5f: {  	_ =	shalt  }
0x60: {  	_ =	shalt  }
0x61: {  	_ =	shalt  }
0x62: {  	_ =	shalt  }
0x63: {  	_ =	shalt  }
0x64: {  	_ =	shalt  }
0x65: {  	_ =	shalt  }
0x66: {  	_ =	shalt  }
0x67: {  	_ =	shalt  }
0x68: {  	_ =	shalt  }
0x69: {  	_ =	shalt  }
0x6a: {  	_ =	shalt  }
0x6b: {  	_ =	shalt  }
0x6c: {  	_ =	shalt  }
0x6d: {  	_ =	shalt  }
0x6e: {  	_ =	shalt  }
0x6f: {  	_ =	shalt  }
0x70: {  	_ =	shalt  }
0x71: {  	_ =	shalt  }
0x72: {  	_ =	shalt  }
0x73: {  	_ =	shalt  }
0x74: {  	_ =	shalt  }
0x75: {  	_ =	shalt  }
0x76: {  	_ =	shalt  }
0x77: {  	_ =	shalt  }
0x78: {  	_ =	shalt  }
0x79: {  	_ =	shalt  }
0x7a: {  	_ =	shalt  }
0x7b: {  	_ =	shalt  }
0x7c: {  	_ =	shalt  }
0x7d: {  	_ =	shalt  }
0x7e: {  	_ =	shalt  }
0x7f: {  	_ =	shalt  }
0x80: {  	_ =	shalt  }
0x81: {  	_ =	shalt  }
0x82: {  	_ =	shalt  }
0x83: {  	_ =	shalt  }
0x84: {  	_ =	shalt  }
0x85: {  	_ =	shalt  }
0x86: {  	_ =	shalt  }
0x87: {  	_ =	shalt  }
.Lfunc_end0:
.L_simem_size_0:
called_computation.4_lowered:
.L_overlay_start_0:
0x88: {  	s2 =	sld [smem:$0x3FD9]  }
0x89: {  	s3 =	sld [smem:$0x3FFE];
	_ =	sdelay $0x1  }
0x8a: {  	s1 =	srdreg.scid  }
0x8b: {  	s0 =	sand.u32 $0x1, s1  }
0x8c: {  	s14 =	sshll.u32 s0, $0xA;
	s2 =	sadd.s32 s3, s2  }
0x8d: {  	s2 =	sadd.s32 s2, s14  }
0x8e: {  	[smem:$0x3FC5] =	sst s2  }
0x8f: {  	_ = 	snop  }
0x90: {  	s2 =	sld [smem:$0x3FD0];
	_ =	sdelay $0x2  }
0x91: {  	s15 =	simm.s32 $0xA;
	s4 =	simm.s32 $0x10  }
0x92: {  	[smem:s4], [sflag:s15] =	dma.local [hbm:s2], $0x1  }
0x93: {  	_ =	swait.eq [sflag:s15], $0x1  }
0x94: {  	[sflag:s15] =	ssyncset.done $0x0  }
0x95: {  	s16 =	sld [smem:$0x10];
	[sflag:s15] =	ssyncadd.s32 $0xFFFFFFFF  }
0x96: {  	s17 =	sld [smem:$0x11];
	(tm) =	ssettm $0x1  }
0x97: {  	s18 =	sld [smem:$0x3FFB];
	_ =	sdelay $0x3  }
0x98: {  	_ =	strace s18  }
0x99: {  	s4 =	sld [smem:$0x3FFC];
	_ =	sdelay $0x3  }
0x9a: {  	_ =	strace s4  }
0x9b: {  	s4 =	sld [smem:$0x3FFD];
	_ =	sdelay $0x3  }
0x9c: {  	_ =	strace s4  }
0x9d: {  	_ =	strace $0x8FFFFFFF  }
0x9e: {  	s19 =	sld [smem:$0x3FDB];
	_ =	sdelay $0x1  }
0x9f: {  	s5 =	simm.s32 $_scs_section_size  }
0xa0: {  	s6 =	simm.s32 $_size__tile_overlayer_lowered;
	s7 =	simm.s32 $_tile_overlayer_lowered  }
0xa1: {  	s22 =	simm.s32 $0x1BFF;
	s21 =	sshll.u32 s7, $0x1;
	s4 =	sadd.s32 s5, s19  }
0xa2: {  	s8 =	simm.s32 $0x0;
	s20 =	sshll.u32 s6, $0x1;
	s6 =	sadd.s32 s21, s4  }
0xa3: {  	[timem:s8], [sflag:s22] =	dma.local [hbm:s6], s20  }
0xa4: {  	_ =	swait.ge [sflag:s22], s20  }
0xa5: {  	s5 =	ssub.s32 $0x0, s20;
	[sflag:s22] =	ssyncset.done $0x0  }
0xa6: {  	[sflag:s22] =	ssyncadd.s32 s5;
	_ =	sdelay $0x1  }
0xa7: {  	s23 =	simm.s32 $0x1B8B  }
0xa8: {  	_ =	swait.ge [sflag:s23], $0x1  }
0xa9: {  	[sflag:s23] =	ssyncset.done $0x0  }
0xaa: {  	s25 =	simm.s32 $0x1B8E;
	s24 =	sld [smem:$0x3FFE];
	[sflag:s23] =	ssyncadd.s32 $0xFFFFFFFF  }
0xab: {  	s26 =	simm.s32 $execute0_lowered;
	[smem:$0x3FD2] =	sst s25  }
0xac: {  	s6 =	sshll.u32 s26, $0x1;
	_ =	strace $0x8000004F;
	[dreg:$0x1] =	wrdreg $0xFFFFFFFF  }
0xad: {  	s28 =	simm.s32 $_size_execute0_lowered;
	s4 =	sadd.s32 s4, s6;
	[dreg:$0x0] =	wrdreg $0x0  }
0xae: {  	s6 =	sshll.u32 s28, $0x1;
	[dreg:$0x2] =	wrdreg s4  }
0xaf: {  	[dreg:$0x3] =	wrdreg s6  }
0xb0: {  	[dreg:$0x4] =	wrdreg $0xC0  }
0xb1: {  	_ =	task [dreg:s8], $0x5FFFF  }
0xb2: {  	[dreg:$0x1] =	wrdreg $0xFFFFFFFF  }
0xb3: {  	[dreg:$0x0] =	wrdreg $0x60  }
0xb4: {  	[dreg:$0x2] =	wrdreg s24  }
0xb5: {  	[dreg:$0x3] =	wrdreg s17  }
0xb6: {  	[dreg:$0x4] =	wrdreg s16  }
0xb7: {  	[dreg:$0x5] =	wrdreg $0x9  }
0xb8: {  	_ =	task.clear_ibuf [dreg:s8], $0x6FFFF;
	_ =	strace $0x9000004F  }
0xb9: {  	s29 =	simm.s32 $0x9;
	_ =	strace $0x80000051  }
0xba: {  	_ =	swait.ge [sflag:s29], $0x1  }
0xbb: {  	[sflag:s29] =	ssyncadd.s32 $0xFFFFFFFF  }
0xbc: {  	_ =	strace $0x90000051  }
0xbd: {  	_ =	sfence  }
0xbe: {  	s30 =	sld [smem:$0x0];
	_ =	sdelay $0x2  }
0xbf: {  	s31 =	sshll.u32 s1, $0xD;
	s1 =	sshrl.u32 s1, $0x2  }
0xc0: {  	s3 =	sand.u32 $0x4000, s31;
	s1 =	sadd.s32 s1, s30  }
0xc1: {  	s0 =	sor.u32 s3, s0;
	s1 =	sshll.u32 s1, $0x11  }
0xc2: {  	s0 =	sor.u32 s1, s0  }
0xc3: {  	s0 =	sadd.s32 $0x8F2B, s0  }
0xc4: {  	[sflag:s0] =	ssyncadd.remote.s32 $0x1  }
0xc5: {  	_ =	sfence.sel $0xFFFF  }
0xc6: {  	[dreg:$0x0] =	wrdreg $0xFFFFFFFF;
	(pc) =	sbr.abs _section_cstart, $3  }
0xc7: {  	[dreg:$0x1] =	wrdreg $0xFFFFFFFF  }
0xc8: {  	_ =	task.clear_ibuf [dreg:s8], $0x2FFFF;
	_ =	strace $0x9FFFFFFF  }
0xc9: {  	(tm) =	ssettm $0x7FFFFFFF  }
tec
execute0_lowered:
.L_overlay_start_1:
0x0: {  	(tag) =	ssettag $0x1  }
0x1: {  	s0 =	stileid.u32;
	s1 =	srdreg.scid  }
0x2: {  	s1 =	sand.u32 $0x1, s1;
	s2 =	sshll.u32 s0, $0x1  }
0x3: {  	s1 =	sor.u32 s2, s1  }
0x4: {  	s2 =	smul.u32 $0x650, s1;
	_ =	sdelay $0x1  }
0x5: {  	s8 =	rddreg [dreg:$0x0];
	s6 =	ssub.s32 $0x19400, s2  }
0x6: {  	s3 =	rddreg [dreg:$0x1];
	s7 =	smulhi.u32 $0x14470, s6  }
0x7: {  	s4 =	rddreg [dreg:$0x2];
	s5 =	simm.s32 $0x1;
	s10 =	simm.s32 $0x3  }
0x8: {  	s13 =	simm.s32 $0x0;
	s12 =	simm.s32 $0x0;
	s9 =	smul.u32 $0xCA00, s7  }
.Ltmp0:
0x9: {  	s8 =	sadd.s32 $0x1A200, s8;
	s1 =	rddreg [dreg:$0x3];
	(pc) =	sbr.rel .LBB2_1-.Ltmp0, $4  }
0xa: {  	_ =	strace $0x80000050;
	p0 =	sne.s32 s6, s9;
	s9 =	simm.s32 $0x1  }
0xb: {  	[sflag:s5] =	ssyncpa.u1 $0x0;
	s6 =	simm.s32 $0x2;
	s9 =	simm.s32 @!p0 $0x0  }
0xc: {  	s11 =	smov.u32 s2;
	[sflag:s6] =	ssyncpa.u1 $0x0;
	s7 =	sadd.s32 s9, s7  }
0xd: {  	vm0 =	vmmov $0xffff;
	[sflag:s10] =	ssyncpa.u1 $0x0;
	s10 =	simm.s32 $0x0;
	s9 =	sadd.s32 $0x1, s7  }
.LBB2_4:
0xe: {  	vm1 =	veq.s32 v4, $0x80000000;
	v56 =	vand.u32 $0x3FF, v4;
	v6 =	vand.u32 $0x7FF, v6  }
0xf: {  	v2 =	vor.u32 v2, v5;
	v59 =	vshrl.u32 v1, $0xA;
	v60 =	vand.u32 $0x3FF, v1  }
0x10: {  	v4 =	vsel vm1, $0xFFFFFFFF, v56;
	v6 =	vsel vm1, $0xFFFFFFFF, v6;
	v2 =	vor.u32 v3, v2  }
0x11: {  	vm1 =	veq.s32 v1, $0x80000000;
	v5 =	vand.u32 $0x7FF, v59;
	v7 =	vshrl.u32 v4, $0x3  }
0x12: {  	v57 =	vshll.u32 v6, $0x3;
	v4 =	vshll.u32 v4, $0x7;
	v1 =	vsel vm1, $0xFFFFFFFF, v60  }
0x13: {  	v5 =	vsel vm1, $0xFFFFFFFF, v5;
	v6 =	vand.u32 $0x7F, v6;
	v7 =	vmul.u32 $0x3400, v7  }
0x14: {  	v58 =	vand.u32 $0xFFFFFC00, v57;
	v4 =	vand.u32 $0x380, v4;
	v61 =	vshrl.u32 v1, $0x3  }
0x15: {  	v62 =	vshll.u32 v5, $0x3;
	v3 =	vadd.s32 v7, v58;
	v7 =	vmul.u32 $0x3400, v61  }
0x16: {  	v1 =	vshll.u32 v1, $0x7;
	v3 =	vor.u32 v4, v3;
	v4 =	vand.u32 $0xFFFFFC00, v62  }
0x17: {  	v1 =	vand.u32 $0x380, v1;
	v3 =	vor.u32 v6, v3;
	v4 =	vadd.s32 v7, v4  }
0x18: {  	[tilespmem:s16], [sflag:$0x1] =	stream.indirect_vreg.gather [hbm4b:s8+s10], $0x1, v0, vm0, $0x4038;
	v63 =	vand.u32 $0x7F, v5;
	v1 =	vor.u32 v1, v4;
	[tilespmem:$0x1940] =	vst v63  }
0x19: {  	s15 =	sadd.s32 $0x10, s15;
	(ifvalue) =	ssetifvalue $0x7FFFFFFF;
	v0 =	vor.u32 v63, v1  }
0x1a: {  	[tilespmem:s15], [sflag:$0x1] =	stream.indirect_vreg.gather [hbm4b:s8+s10], $0x1, v2, vm0, $0x4038;
	[tilespmem:$0x1940] =	vst v63  }
0x1b: {  	s15 =	sadd.s32 $0x10, s15;
	(ifvalue) =	ssetifvalue $0x7FFFFFFF  }
0x1c: {  	[tilespmem:s15], [sflag:$0x1] =	stream.indirect_vreg.gather [hbm4b:s8+s10], $0x1, v3, vm0, $0x4038;
	[tilespmem:$0x1940] =	vst v63  }
0x1d: {  	s15 =	sadd.s32 $0x10, s15;
	(ifvalue) =	ssetifvalue $0x7FFFFFFF  }
0x1e: {  	[tilespmem:s15], [sflag:$0x1] =	stream.indirect_vreg.gather [hbm4b:s8+s10], $0x1, v0, vm0, $0x4038;
	[tilespmem:$0x1940] =	vst v63  }
0x1f: {  	_ =	swait.ge [sflag:s5], $0x650  }
0x20: {  	s30 =	sshrl.u32 s13, $0x3;
	[sflag:s5] =	ssyncset.done $0x0  }
0x21: {  	s31 =	sand.u32 $0x7, s13;
	s15 =	sadd.s32 s4, s30;
	[sflag:s5] =	ssyncadd.s32 $0xFFFFF9B0  }
0x22: {  	[hbm4b:s15+s31] =	stream.linear.scatter [tilespmem:s14], [sflag:$0x3], $0x650, $0x38;
	[tilespmem:$0x1940] =	vst v63  }
.LBB2_5:
0x23: {  	s15 =	sadd.s32 $0xCA00, s11  }
0x24: {  	p1 =	sgt.s32 s15, $0x193FF  }
0x25: {  	s15 =	smov.u32 @p1 s2;
	p1 =	sne.s32 s12, s9  }
.Ltmp1:
0x26: {  	p0 =	slt.u32 s12, $0x2;
	(pc) =	sbr.rel @!p1 .LBB2_6-.Ltmp1, $4  }
0x27: {  	s14 =	simm.s32 @!p0 $0x3  }
0x28: {  	_ =	swait.ge @!p0 [sflag:s14], $0x650  }
0x29: {  	s16 =	sadd.s32 $0x1, s12;
	s13 =	smov.u32 s11;
	[sflag:s14] =	ssyncset.done @!p0 $0x0  }
0x2a: {  	s12 =	smov.u32 s16;
	s11 =	smov.u32 s15;
	[sflag:s14] =	ssyncadd.s32 @!p0 $0xFFFFF9B0  }
.LBB2_1:
0x2b: {  	p0 =	sge.u32 s12, s7  }
0x2c: {  	s14 =	sxor.u32 @!p0 $0xFFFFFFFF, s12  }
0x2d: {  	s14 =	sand.u32 @!p0 $0x1, s14  }
0x2e: {  	s14 =	smul.u32 @!p0 $0x1940, s14  }
0x2f: {  	s31 =	sadd.s32 $0xFFFFFFFF, s12;
	s15 =	sshrl.u32 @!p0 s11, $0x3  }
0x30: {  	s16 =	sand.u32 @!p0 $0x7, s11;
	s15 =	sadd.s32 @!p0 s3, s15;
	s14 =	sshrl.u32 @!p0 s14, $0x2  }
0x31: {  	[tilespmem:s14], [sflag:$0x2] =	stream.linear.gather @!p0 [hbm4b:s15+s16], $0x650, $0x38;
	[tilespmem:$0x1940] =	vst v63  }
0x32: {  	p0 =	sge.u32 s31, s7  }
.Ltmp2:
0x33: {  	_ = 	snop;
	(pc) =	sbr.rel @p0 .LBB2_5-.Ltmp2, $1  }
0x34: {  	_ =	sdelay $0x3  }
0x35: {  	s14 =	sand.u32 $0x1, s12  }
0x36: {  	_ =	swait.ge [sflag:s6], $0x650;
	p0 =	seq.s32 s14, $0x1;
	s14 =	simm.s32 $0x650  }
0x37: {  	[sflag:s6] =	ssyncset.done $0x0;
	s14 =	simm.s32 @!p0 $0x0  }
0x38: {  	[sflag:s6] =	ssyncadd.s32 $0xFFFFF9B0;
	(ifvalue) =	ssetifvalue $0x7FFFFFFF;
	v0 =	vld.msk [tilespmem:s14+$0x0 ss:$0x1], $0xffff  }
0x39: {  	s15 =	sadd.s32 $0x10, s14  }
0x3a: {  	v1 =	vld.msk [tilespmem:s15+$0x0 ss:$0x1], $0xffff;
	_ =	sdelay $0x2  }
0x3b: {  	v2 =	vshrl.u32 v0, $0xA  }
0x3c: {  	vm1 =	veq.s32 v0, $0x80000000;
	v0 =	vand.u32 $0x3FF, v0;
	v2 =	vand.u32 $0x7FF, v2  }
0x3d: {  	v0 =	vsel vm1, $0xFFFFFFFF, v0;
	v6 =	vshrl.u32 v1, $0xA;
	v2 =	vsel vm1, $0xFFFFFFFF, v2  }
0x3e: {  	v3 =	vshrl.u32 v0, $0x3;
	v0 =	vshll.u32 v0, $0x7;
	vm1 =	veq.s32 v1, $0x80000000  }
0x3f: {  	s15 =	sadd.s32 $0x10, s15;
	v1 =	vand.u32 $0x3FF, v1;
	v4 =	vshll.u32 v2, $0x3;
	v3 =	vmul.u32 $0x3400, v3  }
0x40: {  	v0 =	vand.u32 $0x380, v0;
	v7 =	vand.u32 $0x7F, v2;
	v5 =	vand.u32 $0xFFFFFC00, v4;
	v4 =	vld.msk [tilespmem:s15+$0x0 ss:$0x1], $0xffff  }
0x41: {  	v1 =	vsel vm1, $0xFFFFFFFF, v1;
	v2 =	vadd.s32 v3, v5;
	v3 =	vand.u32 $0x7FF, v6  }
0x42: {  	v3 =	vsel vm1, $0xFFFFFFFF, v3;
	v0 =	vor.u32 v0, v2;
	v2 =	vshrl.u32 v1, $0x3  }
0x43: {  	v1 =	vshll.u32 v1, $0x7;
	v5 =	vshll.u32 v3, $0x3;
	v8 =	vmul.u32 $0x3400, v2  }
0x44: {  	s18 =	simm.s32 $0x30;
	s14 =	sadd.s32 $0xCA0, s14;
	s17 =	sadd.s32 $0x10, s15;
	v2 =	vand.u32 $0x380, v1;
	v0 =	vor.u32 v7, v0;
	v5 =	vand.u32 $0xFFFFFC00, v5  }
0x45: {  	s16 =	smov.u32 s14;
	s15 =	smov.u32 s14;
	v1 =	vld.msk [tilespmem:s17+$0x0 ss:$0x1], $0xffff;
	v3 =	vand.u32 $0x7F, v3;
	(ifvalue) =	ssetifvalue $0x7FFFFFFF;
	v6 =	vshrl.u32 v4, $0xA;
	v5 =	vadd.s32 v8, v5  }
.LBB2_3:
0x46: {  	s18 =	sadd.s32 $0x10, s18  }
0x47: {  	vm1 =	veq.s32 v4, $0x80000000;
	v4 =	vand.u32 $0x3FF, v4;
	v6 =	vand.u32 $0x7FF, v6;
	s15 =	sadd.s32 $0x10, s15;
	p0 =	slt.u32 s18, $0x640  }
.Ltmp3:
0x48: {  	v5 =	vor.u32 v2, v5;
	v4 =	vsel vm1, $0xFFFFFFFF, v4;
	v7 =	vsel vm1, $0xFFFFFFFF, v6;
	(pc) =	sbr.rel @p0 .LBB2_3-.Ltmp3, $4  }
0x49: {  	v2 =	vshrl.u32 v4, $0x3;
	v6 =	vshll.u32 v7, $0x3;
	v4 =	vshll.u32 v4, $0x7;
	[tilespmem:s16], [sflag:$0x1] =	stream.indirect_vreg.gather [hbm4b:s8+s10], $0x1, v0, vm0, $0x4038;
	[tilespmem:$0x1940] =	vst v63  }
0x4a: {  	v0 =	vor.u32 v3, v5;
	s16 =	smov.u32 s15;
	v8 =	vmul.u32 $0x3400, v2;
	v2 =	vand.u32 $0x380, v4  }
0x4b: {  	s17 =	sadd.s32 $0x10, s17;
	v9 =	vand.u32 $0xFFFFFC00, v6  }
0x4c: {  	v3 =	vand.u32 $0x7F, v7;
	v6 =	vshrl.u32 v1, $0xA;
	v5 =	vadd.s32 v8, v9;
	(ifvalue) =	ssetifvalue $0x7FFFFFFF;
	v4 =	vmovc v1;
	v1 =	vld.msk [tilespmem:s17+$0x0 ss:$0x1], $0xffff  }
.Ltmp4:
0x4d: {  	_ = 	snop;
	(pc) =	sbr.rel .LBB2_4-.Ltmp4, $1  }
0x4e: {  	_ =	sdelay $0x3  }
.LBB2_6:
0x4f: {  	_ =	sfence.sel $0x180000  }
0x50: {  	s2 =	simm.s32 $0x2;
	[bflag:$0x0] =	sbarrier.arrive $0xFFFF  }
0x51: {  	s30 =	simm.s32 $0x3;
	[sflag:s2] =	ssyncpa.u1 $0x1  }
0x52: {  	s31 =	simm.s32 $0x1;
	[sflag:s30] =	ssyncpa.u1 $0x1  }
0x53: {  	[sflag:s31] =	ssyncpa.u1 $0x1  }
0x54: {  	p0 =	sne.s32 s0, $0x0;
	_ =	strace $0x90000050  }
0x55: {  	s0 =	sadd.s32 @!p0 $0x100000, s1;
	[bflag:$0x2] =	sbarrier.arrive $0xFFFF  }
0x56: {  	[sflag:s0] =	ssyncadd.tile.s32 @!p0 $0x1;
	_ =	shalt  }
.Lfunc_end2:
_tile_overlayer_lowered:
.L_overlay_start_2:
0x57: {  	(tag) =	ssettag $0x2  }
0x58: {  	s0 =	rddreg [dreg:$0x0];
	s2 =	stileid.u32  }
0x59: {  	s1 =	rddreg [dreg:$0x1];
	p0 =	sne.s32 s2, $0x0  }
0x5a: {  	s3 =	rddreg [dreg:$0x2];
	[bflag:$0x3] =	sbarrier.arrive $0xFFFF;
	s2 =	simm.s32 @!p0 $0x1C01  }
0x5b: {  	[timem:s3], [sflag:s2] =	dma.local @!p0 [hbm:s0], s1  }
0x5c: {  	s0 =	simm.s32 @!p0 $0x1  }
0x5d: {  	_ =	swait.ge @!p0 [sflag:s0], s1  }
0x5e: {  	s1 =	ssub.s32 @!p0 $0x0, s1;
	[sflag:s0] =	ssyncset.done @!p0 $0x0  }
0x5f: {  	[sflag:s0] =	ssyncadd.s32 @!p0 s1  }
0x60: {  	[bflag:$0x3] =	sbarrier.arrive $0xFFFF  }
0x61: {  	_ =	shalt  }

// kernel: gather_offload_async_start
scs
__scs_entry_jumppad:
0x0: {  	(pc) =	sbr.rel $0x88, $3  }
0x1: {  	(tag) =	ssettag $0x0;
	lr =	simm.s32 $0x1  }
0x2: {  	[smem:$0x3F9E] =	sst lr;
	_ =	strace $0xD0000000  }
0x3: {  	_ = 	snop  }
0x4: {  	_ = 	snop  }
0x5: {  	_ = 	snop  }
0x6: {  	_ = 	snop  }
0x7: {  	_ = 	snop  }
__scs_overlays_trampoline_lowered:
0x8: {  	[smem:$0x3FAD] =	sst s0  }
0x9: {  	[smem:$0x3FAE] =	sst s1  }
0xa: {  	[smem:$0x3FAF] =	sst s2  }
0xb: {  	[smem:$0x3FB0] =	sst s3  }
0xc: {  	[smem:$0x3FB1] =	sst s4  }
0xd: {  	[smem:$0x3FB2] =	sst s5  }
0xe: {  	[smem:$0x3FB3] =	sst s6  }
0xf: {  	[smem:$0x3FB4] =	sst s7  }
0x10: {  	[smem:$0x3FB5] =	sst s8  }
0x11: {  	[smem:$0x3FB6] =	sst s9;
	s0 =	simm.s32 @!p0 $0x0  }
0x12: {  	s1 =	sld [smem:$0x3F9C];
	s0 =	simm.s32 @p0 $0x1  }
0x13: {  	[smem:$0x3FB7] =	sst s0;
	s0 =	simm.s32 @!p1 $0x0  }
0x14: {  	s2 =	sld [smem:$0x3F9B];
	s0 =	simm.s32 @p1 $0x1  }
0x15: {  	[smem:$0x3FB8] =	sst s0;
	s0 =	simm.s32 @!p2 $0x0  }
0x16: {  	s3 =	sld [smem:$0x3FDB];
	s0 =	simm.s32 @p2 $0x1  }
0x17: {  	s4 =	simm.s32 $0x1BF5;
	[smem:$0x3FBA] =	sst s0  }
0x18: {  	s0 =	sld [smem:$0x3F9D];
	_ =	swait.ge [sflag:s4], $0x0  }
0x19: {  	s7 =	sld [smem:$0x3F9E]  }
0x1a: {  	s8 =	sadd.s32 $0xFFFFE003, lr  }
0x1b: {  	s9 =	sadd.s32 $0xFFFFFEF7, lr;
	s5 =	simm.s32 $0xFFFFFFFF;
	p2 =	slt.u32 s8, $0xFFFFF086  }
0x1c: {  	p1 =	slt.u32 s9, $0xF7A;
	s5 =	simm.s32 @!p2 $0x0  }
0x1d: {  	s5 =	simm.s32 @p1 $0x1;
	p0 =	seq.s32 s7, s2  }
0x1e: {  	s7 =	smul.u32 @!p0 $0xF7A, s2;
	p2 =	seq.s32 @!p0 s5, $0x0  }
0x1f: {  	s9 =	smul.u32 $0xF7A, s1;
	s8 =	simm.s32 @!p0 $0x1BF5;
	p2 =	por !p2, p0  }
0x20: {  	[sflag:s8] =	ssyncset.s32 @!p0 $0xFFFFF086;
	s6 =	sadd.s32 @!p0 s3, s7;
	s7 =	simm.s32 @!p0 $0x108  }
0x21: {  	s3 =	sadd.s32 s3, s9;
	s6 =	sadd.s32 @!p0 $0x88, s6;
	s7 =	simm.s32 @p2 $0x1082  }
0x22: {  	[simem:s7], [sflag:s8] =	dma.local @!p0 [hbm:s6], $0xF7A  }
0x23: {  	s9 =	sor.u32 $0xD0000000, s2;
	s6 =	simm.s32 $0x108;
	_ =	swait.ge @!p0 [sflag:s8], $0x0  }
0x24: {  	s3 =	sadd.s32 $0x88, s3;
	s6 =	simm.s32 @!p1 $0x1082;
	[sflag:s4] =	ssyncset.s32 $0xFFFFF086  }
0x25: {  	[simem:s6], [sflag:s4] =	dma.local [hbm:s3], $0xF7A  }
0x26: {  	[smem:$0x3F9E] =	sst s1;
	(tag) =	ssettag s2;
	_ =	strace s9  }
0x27: {  	s1 =	sld [smem:$0x3FAE]  }
0x28: {  	s2 =	sld [smem:$0x3FAF]  }
0x29: {  	s4 =	sld [smem:$0x3FB1]  }
0x2a: {  	p0 =	seq.s32 s5, $0x0;
	s5 =	sld [smem:$0x3FB2]  }
0x2b: {  	s6 =	sld [smem:$0x3FB3]  }
0x2c: {  	s7 =	sld [smem:$0x3FB4]  }
0x2d: {  	s3 =	simm.s32 $0x108;
	s8 =	sld [smem:$0x3FB5]  }
0x2e: {  	s3 =	simm.s32 @!p0 $0x1082;
	s9 =	sld [smem:$0x3FB6]  }
0x2f: {  	lr =	sadd.s32 s0, s3;
	s0 =	sld [smem:$0x3FAD]  }
0x30: {  	s3 =	sld [smem:$0x3FB0]  }
0x31: {  	[smem:$0x3FB9] =	sst s10  }
0x32: {  	s10 =	sld [smem:$0x3FB7];
	_ =	sdelay $0x3  }
0x33: {  	p0 =	seq.s32 s10, $0x1;
	s10 =	sld [smem:$0x3FB9];
	_ =	sdelay $0x3  }
0x34: {  	[smem:$0x3FB9] =	sst s10  }
0x35: {  	s10 =	sld [smem:$0x3FB8];
	_ =	sdelay $0x3  }
0x36: {  	p1 =	seq.s32 s10, $0x1;
	s10 =	sld [smem:$0x3FB9];
	_ =	sdelay $0x3  }
0x37: {  	[smem:$0x3FB9] =	sst s10  }
0x38: {  	s10 =	sld [smem:$0x3FBA]  }
0x39: {  	_ = 	snop;
	(pc) =	sbr.ind lr, $3  }
0x3a: {  	_ = 	snop  }
0x3b: {  	_ = 	snop  }
0x3c: {  	p2 =	seq.s32 s10, $0x1;
	s10 =	sld [smem:$0x3FB9]  }
0x3d: {  	_ =	shalt  }
0x3e: {  	_ =	shalt  }
0x3f: {  	_ =	shalt  }
0x40: {  	_ =	shalt  }
0x41: {  	_ =	shalt  }
0x42: {  	_ =	shalt  }
0x43: {  	_ =	shalt  }
0x44: {  	_ =	shalt  }
0x45: {  	_ =	shalt  }
0x46: {  	_ =	shalt  }
0x47: {  	_ =	shalt  }
0x48: {  	_ =	shalt  }
0x49: {  	_ =	shalt  }
0x4a: {  	_ =	shalt  }
0x4b: {  	_ =	shalt  }
0x4c: {  	_ =	shalt  }
0x4d: {  	_ =	shalt  }
0x4e: {  	_ =	shalt  }
0x4f: {  	_ =	shalt  }
0x50: {  	_ =	shalt  }
0x51: {  	_ =	shalt  }
0x52: {  	_ =	shalt  }
0x53: {  	_ =	shalt  }
0x54: {  	_ =	shalt  }
0x55: {  	_ =	shalt  }
0x56: {  	_ =	shalt  }
0x57: {  	_ =	shalt  }
0x58: {  	_ =	shalt  }
0x59: {  	_ =	shalt  }
0x5a: {  	_ =	shalt  }
0x5b: {  	_ =	shalt  }
0x5c: {  	_ =	shalt  }
0x5d: {  	_ =	shalt  }
0x5e: {  	_ =	shalt  }
0x5f: {  	_ =	shalt  }
0x60: {  	_ =	shalt  }
0x61: {  	_ =	shalt  }
0x62: {  	_ =	shalt  }
0x63: {  	_ =	shalt  }
0x64: {  	_ =	shalt  }
0x65: {  	_ =	shalt  }
0x66: {  	_ =	shalt  }
0x67: {  	_ =	shalt  }
0x68: {  	_ =	shalt  }
0x69: {  	_ =	shalt  }
0x6a: {  	_ =	shalt  }
0x6b: {  	_ =	shalt  }
0x6c: {  	_ =	shalt  }
0x6d: {  	_ =	shalt  }
0x6e: {  	_ =	shalt  }
0x6f: {  	_ =	shalt  }
0x70: {  	_ =	shalt  }
0x71: {  	_ =	shalt  }
0x72: {  	_ =	shalt  }
0x73: {  	_ =	shalt  }
0x74: {  	_ =	shalt  }
0x75: {  	_ =	shalt  }
0x76: {  	_ =	shalt  }
0x77: {  	_ =	shalt  }
0x78: {  	_ =	shalt  }
0x79: {  	_ =	shalt  }
0x7a: {  	_ =	shalt  }
0x7b: {  	_ =	shalt  }
0x7c: {  	_ =	shalt  }
0x7d: {  	_ =	shalt  }
0x7e: {  	_ =	shalt  }
0x7f: {  	_ =	shalt  }
0x80: {  	_ =	shalt  }
0x81: {  	_ =	shalt  }
0x82: {  	_ =	shalt  }
0x83: {  	_ =	shalt  }
0x84: {  	_ =	shalt  }
0x85: {  	_ =	shalt  }
0x86: {  	_ =	shalt  }
0x87: {  	_ =	shalt  }
.Lfunc_end0:
.L_simem_size_0:
called_computation_lowered:
.L_overlay_start_0:
0x88: {  	s2 =	sld [smem:$0x3FD9]  }
0x89: {  	s3 =	sld [smem:$0x3FFE];
	_ =	sdelay $0x1  }
0x8a: {  	s1 =	srdreg.scid  }
0x8b: {  	s0 =	sand.u32 $0x1, s1  }
0x8c: {  	s14 =	sshll.u32 s0, $0xA;
	s2 =	sadd.s32 s3, s2  }
0x8d: {  	s2 =	sadd.s32 s2, s14  }
0x8e: {  	[smem:$0x3FC5] =	sst s2  }
0x8f: {  	_ = 	snop  }
0x90: {  	s2 =	sld [smem:$0x3FD0];
	_ =	sdelay $0x2  }
0x91: {  	s15 =	simm.s32 $0xA;
	s4 =	simm.s32 $0x10  }
0x92: {  	[smem:s4], [sflag:s15] =	dma.local [hbm:s2], $0x1  }
0x93: {  	_ =	swait.eq [sflag:s15], $0x1  }
0x94: {  	[sflag:s15] =	ssyncset.done $0x0  }
0x95: {  	[sflag:s15] =	ssyncadd.s32 $0xFFFFFFFF  }
0x96: {  	s16 =	sld [smem:$0x10];
	(tm) =	ssettm $0x1  }
0x97: {  	s17 =	sld [smem:$0x3FFB];
	_ =	sdelay $0x3  }
0x98: {  	_ =	strace s17  }
0x99: {  	s3 =	sld [smem:$0x3FFC];
	_ =	sdelay $0x3  }
0x9a: {  	_ =	strace s3  }
0x9b: {  	s3 =	sld [smem:$0x3FFD];
	_ =	sdelay $0x3  }
0x9c: {  	_ =	strace s3  }
0x9d: {  	_ =	strace $0x8FFFFFFF  }
0x9e: {  	s18 =	sld [smem:$0x3FDB];
	_ =	sdelay $0x1  }
0x9f: {  	s19 =	simm.s32 $_scs_section_size  }
0xa0: {  	s5 =	simm.s32 $_size__tile_overlayer_lowered;
	s6 =	simm.s32 $_tile_overlayer_lowered  }
0xa1: {  	s22 =	simm.s32 $0x1BFF;
	s21 =	sshll.u32 s6, $0x1;
	s3 =	sadd.s32 s19, s18  }
0xa2: {  	s7 =	simm.s32 $0x0;
	s20 =	sshll.u32 s5, $0x1;
	s5 =	sadd.s32 s21, s3  }
0xa3: {  	[timem:s7], [sflag:s22] =	dma.local [hbm:s5], s20  }
0xa4: {  	_ =	swait.ge [sflag:s22], s20  }
0xa5: {  	s4 =	ssub.s32 $0x0, s20;
	[sflag:s22] =	ssyncset.done $0x0  }
0xa6: {  	[sflag:s22] =	ssyncadd.s32 s4;
	_ =	sdelay $0x1  }
0xa7: {  	s23 =	simm.s32 $0x1B8B  }
0xa8: {  	_ =	swait.ge [sflag:s23], $0x1  }
0xa9: {  	[sflag:s23] =	ssyncset.done $0x0  }
0xaa: {  	s25 =	simm.s32 $0x1B8E;
	s24 =	sld [smem:$0x3FFE];
	[sflag:s23] =	ssyncadd.s32 $0xFFFFFFFF  }
0xab: {  	s26 =	simm.s32 $execute0_lowered;
	[smem:$0x3FD2] =	sst s25  }
0xac: {  	s5 =	sshll.u32 s26, $0x1;
	_ =	strace $0x80000052;
	[dreg:$0x1] =	wrdreg $0xFFFFFFFF  }
0xad: {  	s28 =	simm.s32 $_size_execute0_lowered;
	s3 =	sadd.s32 s3, s5;
	[dreg:$0x0] =	wrdreg $0x0  }
0xae: {  	s5 =	sshll.u32 s28, $0x1;
	[dreg:$0x2] =	wrdreg s3  }
0xaf: {  	[dreg:$0x3] =	wrdreg s5  }
0xb0: {  	[dreg:$0x4] =	wrdreg $0xC0  }
0xb1: {  	_ =	task [dreg:s7], $0x5FFFF  }
0xb2: {  	[dreg:$0x1] =	wrdreg $0xFFFFFFFF  }
0xb3: {  	[dreg:$0x0] =	wrdreg $0x60  }
0xb4: {  	[dreg:$0x2] =	wrdreg s24  }
0xb5: {  	[dreg:$0x3] =	wrdreg s16  }
0xb6: {  	[dreg:$0x4] =	wrdreg $0x9  }
0xb7: {  	_ =	task.clear_ibuf [dreg:s7], $0x5FFFF;
	_ =	strace $0x90000052  }
0xb8: {  	s29 =	simm.s32 $0x9;
	_ =	strace $0x80000054  }
0xb9: {  	_ =	swait.ge [sflag:s29], $0x1  }
0xba: {  	[sflag:s29] =	ssyncadd.s32 $0xFFFFFFFF  }
0xbb: {  	_ =	strace $0x90000054  }
0xbc: {  	_ =	sfence  }
0xbd: {  	s30 =	sld [smem:$0x0];
	_ =	sdelay $0x2  }
0xbe: {  	s31 =	sshll.u32 s1, $0xD;
	s1 =	sshrl.u32 s1, $0x2  }
0xbf: {  	s3 =	sand.u32 $0x4000, s31;
	s1 =	sadd.s32 s1, s30  }
0xc0: {  	s0 =	sor.u32 s3, s0;
	s1 =	sshll.u32 s1, $0x11  }
0xc1: {  	s0 =	sor.u32 s1, s0  }
0xc2: {  	s0 =	sadd.s32 $0x8F2B, s0  }
0xc3: {  	[sflag:s0] =	ssyncadd.remote.s32 $0x1  }
0xc4: {  	_ =	sfence.sel $0xFFFF  }
0xc5: {  	[dreg:$0x0] =	wrdreg $0xFFFFFFFF;
	(pc) =	sbr.abs _section_cstart, $3  }
0xc6: {  	[dreg:$0x1] =	wrdreg $0xFFFFFFFF  }
0xc7: {  	_ =	task.clear_ibuf [dreg:s7], $0x2FFFF;
	_ =	strace $0x9FFFFFFF  }
0xc8: {  	(tm) =	ssettm $0x7FFFFFFF  }
0xc9: {  	_ =	shalt  }
tec
execute0_lowered:
.L_overlay_start_1:
0x0: {  	(tag) =	ssettag $0x1  }
0x1: {  	s0 =	stileid.u32;
	s1 =	srdreg.scid  }
0x2: {  	s1 =	sand.u32 $0x1, s1;
	s2 =	sshll.u32 s0, $0x1  }
0x3: {  	s1 =	sor.u32 s2, s1  }
0x4: {  	s2 =	smul.u32 $0x650, s1;
	_ =	sdelay $0x1  }
0x5: {  	s6 =	ssub.s32 $0x19400, s2  }
0x6: {  	s3 =	rddreg [dreg:$0x0];
	s7 =	smulhi.u32 $0x14470, s6  }
0x7: {  	s4 =	rddreg [dreg:$0x1];
	s5 =	simm.s32 $0x1;
	s9 =	simm.s32 $0x3  }
0x8: {  	s10 =	simm.s32 $0x0;
	s13 =	simm.s32 $0x0;
	s8 =	smul.u32 $0xCA00, s7  }
.Ltmp0:
0x9: {  	s12 =	simm.s32 $0x0;
	s1 =	rddreg [dreg:$0x2];
	(pc) =	sbr.rel .LBB2_1-.Ltmp0, $4  }
0xa: {  	_ =	strace $0x80000053;
	p0 =	sne.s32 s6, s8;
	s8 =	simm.s32 $0x1  }
0xb: {  	[sflag:s5] =	ssyncpa.u1 $0x0;
	s6 =	simm.s32 $0x2;
	s8 =	simm.s32 @!p0 $0x0  }
0xc: {  	s11 =	smov.u32 s2;
	[sflag:s6] =	ssyncpa.u1 $0x0;
	s7 =	sadd.s32 s8, s7  }
0xd: {  	vm0 =	vmmov $0xffff;
	s8 =	sadd.s32 $0x17000, s3;
	[sflag:s9] =	ssyncpa.u1 $0x0;
	s9 =	sadd.s32 $0x1, s7  }
.LBB2_4:
0xe: {  	v2 =	vnsel vm1, $0x0, v2  }
0xf: {  	vm1 =	vgt.s32 v0, $0x0;
	v2 =	vmin.u32 v2, $0x187FF  }
0x10: {  	v0 =	vnsel vm1, $0x0, v0  }
0x11: {  	v0 =	vmin.u32 v0, $0x187FF  }
0x12: {  	[tilespmem:s18], [sflag:$0x1] =	stream.indirect_vreg.gather [hbm4b:s8+s10], $0x1, v1, vm0, $0x4038;
	[tilespmem:$0x1940] =	vst v63  }
0x13: {  	(ifvalue) =	ssetifvalue $0x7FFFFFFF  }
0x14: {  	[tilespmem:s15], [sflag:$0x1] =	stream.indirect_vreg.gather [hbm4b:s8+s10], $0x1, v2, vm0, $0x4038;
	[tilespmem:$0x1940] =	vst v63  }
0x15: {  	s29 =	sadd.s32 $0x10, s15;
	(ifvalue) =	ssetifvalue $0x7FFFFFFF  }
0x16: {  	[tilespmem:s29], [sflag:$0x1] =	stream.indirect_vreg.gather [hbm4b:s8+s10], $0x1, v0, vm0, $0x4038;
	[tilespmem:$0x1940] =	vst v63  }
0x17: {  	_ =	swait.ge [sflag:s5], $0x650  }
0x18: {  	s30 =	sshrl.u32 s13, $0x3;
	[sflag:s5] =	ssyncset.done $0x0  }
0x19: {  	s31 =	sand.u32 $0x7, s13;
	s15 =	sadd.s32 s3, s30;
	[sflag:s5] =	ssyncadd.s32 $0xFFFFF9B0  }
0x1a: {  	[hbm4b:s15+s31] =	stream.linear.scatter [tilespmem:s14], [sflag:$0x3], $0x650, $0x38;
	[tilespmem:$0x1940] =	vst v63  }
.LBB2_5:
0x1b: {  	s15 =	sadd.s32 $0xCA00, s11  }
0x1c: {  	p1 =	sgt.s32 s15, $0x193FF  }
0x1d: {  	s15 =	smov.u32 @p1 s2;
	p1 =	sne.s32 s12, s9  }
.Ltmp1:
0x1e: {  	p0 =	slt.u32 s12, $0x2;
	(pc) =	sbr.rel @!p1 .LBB2_6-.Ltmp1, $4  }
0x1f: {  	s14 =	simm.s32 @!p0 $0x3  }
0x20: {  	_ =	swait.ge @!p0 [sflag:s14], $0x650  }
0x21: {  	s16 =	sadd.s32 $0x1, s12;
	s13 =	smov.u32 s11;
	[sflag:s14] =	ssyncset.done @!p0 $0x0  }
0x22: {  	s12 =	smov.u32 s16;
	s11 =	smov.u32 s15;
	[sflag:s14] =	ssyncadd.s32 @!p0 $0xFFFFF9B0  }
.LBB2_1:
0x23: {  	p0 =	sge.u32 s12, s7  }
0x24: {  	s14 =	sxor.u32 @!p0 $0xFFFFFFFF, s12  }
0x25: {  	s14 =	sand.u32 @!p0 $0x1, s14  }
0x26: {  	s14 =	smul.u32 @!p0 $0x1940, s14  }
0x27: {  	s31 =	sadd.s32 $0xFFFFFFFF, s12;
	s15 =	sshrl.u32 @!p0 s11, $0x3  }
0x28: {  	s16 =	sand.u32 @!p0 $0x7, s11;
	s15 =	sadd.s32 @!p0 s4, s15;
	s14 =	sshrl.u32 @!p0 s14, $0x2  }
0x29: {  	[tilespmem:s14], [sflag:$0x2] =	stream.linear.gather @!p0 [hbm4b:s15+s16], $0x650, $0x38;
	[tilespmem:$0x1940] =	vst v63  }
0x2a: {  	p0 =	sge.u32 s31, s7  }
.Ltmp2:
0x2b: {  	_ = 	snop;
	(pc) =	sbr.rel @p0 .LBB2_5-.Ltmp2, $1  }
0x2c: {  	_ =	sdelay $0x3  }
0x2d: {  	s14 =	sand.u32 $0x1, s12  }
0x2e: {  	_ =	swait.ge [sflag:s6], $0x650;
	p0 =	seq.s32 s14, $0x1;
	s14 =	simm.s32 $0x650  }
0x2f: {  	[sflag:s6] =	ssyncset.done $0x0;
	s14 =	simm.s32 @!p0 $0x0  }
0x30: {  	[sflag:s6] =	ssyncadd.s32 $0xFFFFF9B0;
	(ifvalue) =	ssetifvalue $0x7FFFFFFF;
	v0 =	vld.msk [tilespmem:s14+$0x0 ss:$0x1], $0xffff;
	_ =	sdelay $0x4  }
0x31: {  	s15 =	sadd.s32 $0x10, s14;
	vm1 =	vgt.s32 v0, $0x0  }
0x32: {  	v2 =	vld.msk [tilespmem:s15+$0x0 ss:$0x1], $0xffff;
	v1 =	vnsel vm1, $0x0, v0  }
0x33: {  	v1 =	vmin.u32 v1, $0x187FF;
	_ =	sdelay $0x2  }
0x34: {  	s17 =	simm.s32 $0x20;
	s14 =	sadd.s32 $0xCA0, s14;
	s16 =	sadd.s32 $0x10, s15  }
0x35: {  	s15 =	sadd.s32 $0x10, s14;
	s18 =	smov.u32 s14;
	v0 =	vld.msk [tilespmem:s16+$0x0 ss:$0x1], $0xffff;
	vm1 =	vgt.s32 v2, $0x0;
	(ifvalue) =	ssetifvalue $0x7FFFFFFF  }
.LBB2_3:
0x36: {  	[tilespmem:s18], [sflag:$0x1] =	stream.indirect_vreg.gather [hbm4b:s8+s10], $0x1, v1, vm0, $0x4038;
	[tilespmem:$0x1940] =	vst v63  }
0x37: {  	s17 =	sadd.s32 $0x10, s17  }
0x38: {  	v2 =	vnsel vm1, $0x0, v2;
	p0 =	slt.u32 s17, $0x640  }
.Ltmp3:
0x39: {  	s18 =	smov.u32 s15;
	v1 =	vmin.u32 v2, $0x187FF;
	(pc) =	sbr.rel @p0 .LBB2_3-.Ltmp3, $3  }
0x3a: {  	_ =	sdelay $0x1  }
0x3b: {  	s16 =	sadd.s32 $0x10, s16  }
0x3c: {  	vm1 =	vgt.s32 v0, $0x0;
	s15 =	sadd.s32 $0x10, s15;
	v2 =	vmov v0;
	(ifvalue) =	ssetifvalue $0x7FFFFFFF;
	v0 =	vld.msk [tilespmem:s16+$0x0 ss:$0x1], $0xffff  }
.Ltmp4:
0x3d: {  	_ = 	snop;
	(pc) =	sbr.rel .LBB2_4-.Ltmp4, $1  }
0x3e: {  	_ =	sdelay $0x3  }
.LBB2_6:
0x3f: {  	_ =	sfence.sel $0x180000  }
0x40: {  	s2 =	simm.s32 $0x2;
	[bflag:$0x0] =	sbarrier.arrive $0xFFFF  }
0x41: {  	s30 =	simm.s32 $0x3;
	[sflag:s2] =	ssyncpa.u1 $0x1  }
0x42: {  	s31 =	simm.s32 $0x1;
	[sflag:s30] =	ssyncpa.u1 $0x1  }
0x43: {  	[sflag:s31] =	ssyncpa.u1 $0x1  }
0x44: {  	p0 =	sne.s32 s0, $0x0;
	_ =	strace $0x90000053  }
0x45: {  	s0 =	sadd.s32 @!p0 $0x100000, s1;
	[bflag:$0x2] =	sbarrier.arrive $0xFFFF  }
0x46: {  	[sflag:s0] =	ssyncadd.tile.s32 @!p0 $0x1;
	_ =	shalt  }
.Lfunc_end2:
_tile_overlayer_lowered:
.L_overlay_start_2:
0x47: {  	(tag) =	ssettag $0x2  }
0x48: {  	s0 =	rddreg [dreg:$0x0];
	s2 =	stileid.u32  }
0x49: {  	s1 =	rddreg [dreg:$0x1];
	p0 =	sne.s32 s2, $0x0  }
0x4a: {  	s3 =	rddreg [dreg:$0x2];
	[bflag:$0x3] =	sbarrier.arrive $0xFFFF;
	s2 =	simm.s32 @!p0 $0x1C01  }
0x4b: {  	[timem:s3], [sflag:s2] =	dma.local @!p0 [hbm:s0], s1  }
0x4c: {  	s0 =	simm.s32 @!p0 $0x1  }
0x4d: {  	_ =	swait.ge @!p0 [sflag:s0], s1  }
0x4e: {  	s1 =	ssub.s32 @!p0 $0x0, s1;
	[sflag:s0] =	ssyncset.done @!p0 $0x0  }
0x4f: {  	[sflag:s0] =	ssyncadd.s32 @!p0 s1  }
0x50: {  	[bflag:$0x3] =	sbarrier.arrive $0xFFFF  }
0x51: {  	_ =	shalt  }

</sc_bundles>
